<compile_context>
chip_gen: v7x
topology: tpu7x:2x2x1
jax: 0.10.2.dev20260603
libtpu: 0.0.44.dev20260713+nightly
codegen_flags: <defaults>
</compile_context>

<pallas_src>
import jax
import jax.numpy as jnp
from jax import lax
from jax.experimental import pallas as pl
from jax.experimental.pallas import tpu as pltpu
from jax.experimental.pallas import tpu_sc as plsc

XK = 1000000
NBATCH = 16384
SMOOTH_EPS = 1e-6

NC = 1
NS = 16
NW = NC * NS
BPW = NBATCH // NW
ROWS_PER_W = BPW // 128


PAD_ROWS = 7936
PAD_N = PAD_ROWS * 128
NCHUNK = 16
CHUNK_ROWS = PAD_ROWS // NCHUNK


MAIN_N = 999424


def _pad_body(emb_hbm, out_hbm, tailsrc, bigbuf, sema, semb, semc):
    cp1 = pltpu.make_async_copy(
        emb_hbm.at[pl.ds(0, MAIN_N)], out_hbm.at[pl.ds(0, MAIN_N)], sema
    )
    cp1.start()
    cp2 = pltpu.make_async_copy(
        emb_hbm.at[pl.ds(MAIN_N, XK - MAIN_N)], tailsrc, semb
    )
    cp2.start()
    cp2.wait()
    bigbuf[...] = jnp.concatenate(
        [tailsrc[...], jnp.full((PAD_N - XK,), -jnp.inf, jnp.float32)]
    )
    cp3 = pltpu.make_async_copy(
        bigbuf, out_hbm.at[pl.ds(MAIN_N, PAD_N - MAIN_N)], semc
    )
    cp3.start()
    cp1.wait()
    cp3.wait()


def _stats_body(main_ref, out_ref):
    acc_m = None
    acc_s = None
    for k in range(NCHUNK):
        x = main_ref[pl.ds(k * CHUNK_ROWS, CHUNK_ROWS), :]
        bm = jnp.max(x, axis=0, keepdims=True)
        if acc_m is None:
            acc_m = bm
            acc_s = jnp.sum(jnp.exp(x - bm), axis=0, keepdims=True)
        else:
            new_m = jnp.maximum(acc_m, bm)
            acc_s = acc_s * jnp.exp(acc_m - new_m) + jnp.sum(
                jnp.exp(x - new_m), axis=0, keepdims=True
            )
            acc_m = new_m

    m = jnp.max(acc_m)
    s = jnp.sum(acc_s * jnp.exp(acc_m - m))
    scale = (1.0 - SMOOTH_EPS) / s
    row = lax.broadcasted_iota(jnp.int32, (8, 128), 0)
    out_ref[...] = jnp.where(row < 1, m, scale)


def _gather_body(emb_hbm, idx_hbm, out_hbm, idx_v, rows_v, isem, gsem):
    wid = lax.axis_index("s") * NC + lax.axis_index("c")
    base = wid * ROWS_PER_W
    idx_cps = [
        pltpu.async_copy(idx_hbm.at[base + j], idx_v.at[j], isem.at[j])
        for j in range(ROWS_PER_W)
    ]
    gather_cps = []
    for j in range(ROWS_PER_W):
        idx_cps[j].wait()
        gather_cps.append(
            pltpu.async_copy(emb_hbm.at[idx_v.at[j]], rows_v.at[j], gsem)
        )
    for c in gather_cps:
        c.wait()
    pltpu.sync_copy(rows_v, out_hbm.at[pl.ds(base, ROWS_PER_W)])


def _apply_body(g_ref, stats_ref, out_ref):
    st = stats_ref[...]
    m = st[0, 0]
    scale = st[1, 0]
    g = g_ref[...]
    out_ref[...] = jnp.exp(g - m) * scale + jnp.float32(SMOOTH_EPS / XK)


@jax.jit
def kernel(inputs, embedding):
    idx = inputs.reshape(NBATCH // 128, 128).astype(jnp.int32)

    emb_pad = pl.pallas_call(
        _pad_body,
        in_specs=[pl.BlockSpec(memory_space=pl.ANY)],
        out_specs=pl.BlockSpec(memory_space=pl.ANY),
        out_shape=jax.ShapeDtypeStruct((PAD_N,), jnp.float32),
        scratch_shapes=[
            pltpu.VMEM((XK - MAIN_N,), jnp.float32),
            pltpu.VMEM((PAD_N - MAIN_N,), jnp.float32),
            pltpu.SemaphoreType.DMA,
            pltpu.SemaphoreType.DMA,
            pltpu.SemaphoreType.DMA,
        ],
    )(embedding).reshape(PAD_ROWS, 128)
    stats = pl.pallas_call(
        _stats_body,
        out_shape=jax.ShapeDtypeStruct((8, 128), jnp.float32),
    )(emb_pad)

    mesh = plsc.VectorSubcoreMesh(core_axis_name="c", subcore_axis_name="s", num_cores=1)
    gathered = pl.kernel(
        _gather_body,
        mesh=mesh,
        out_type=jax.ShapeDtypeStruct((NBATCH // 128, 128), jnp.float32),
        scratch_types=[
            pltpu.VMEM((ROWS_PER_W, 128), jnp.int32),
            pltpu.VMEM((ROWS_PER_W, 128), jnp.float32),
            pltpu.SemaphoreType.DMA((ROWS_PER_W,)),
            pltpu.SemaphoreType.DMA,
        ],
    )(embedding, idx)

    out = pl.pallas_call(
        _apply_body,
        out_shape=jax.ShapeDtypeStruct((NBATCH // 128, 128), jnp.float32),
    )(gathered, stats)

    return out.reshape(NBATCH, 1)

# --- scband reference (transcript-rebuilt; emitter-appended) ---
"""Pipeline reference for scband-prior-layer-20684562497753 (READ-ONLY COPY).

The authoritative reference and input builder live on the scoring server;
editing this copy changes nothing except your own understanding.
"""

import jax, jax.numpy as jnp
import numpy as np

X_K = 1000000
BATCH = 16384
EPS = 1e-6


def softmax_nd(x, axis=-1):
    return jax.nn.softmax(x, axis=axis)


def uniform_smoothing(p, eps=EPS):
    k = p.shape[-1]
    return p * (1.0 - eps) + eps / k


def setup_inputs(seed: int = 0) -> dict:
    key = jax.random.key(seed)
    k1, k2 = jax.random.split(key)
    inputs = jax.random.randint(k1, (BATCH, 1), 0, X_K)
    # learned prior embedding, shape (x_k,), random_uniform initializer
    embedding = jax.random.uniform(k2, (X_K,), minval=-0.05, maxval=0.05, dtype=jnp.float32)
    return {"inputs": inputs, "embedding": embedding}


def reference(inputs, embedding):
    # p_x = uniform_smoothing(softmax_nd(embedding))
    p_x = uniform_smoothing(softmax_nd(embedding, axis=-1))
    # gather: p_x_t = p_x[inputs]  -> shape (BATCH, 1)
    p_x_t = p_x[inputs]
    return p_x_t

if __name__ == "__main__":
    import jax
    _d = setup_inputs()
    print(jax.jit(kernel)(*tuple(_d.values())))

</pallas_src>

<mosaic_0001>
#map = affine_map<(d0, d1) -> (0)>
#map1 = affine_map<(d0, d1) -> (0, 0)>
module attributes {stable_mosaic.version = 14 : i64} {
  func.func @_gather_body(%arg0: i32, %arg1: i32, %arg2: memref<1000000xf32, #tpu.memory_space<hbm>>, %arg3: memref<128x128xi32, #tpu.memory_space<hbm>>, %arg4: memref<128x128xf32, #tpu.memory_space<hbm>>, %arg5: memref<8x128xi32, #tpu.memory_space<vmem>>, %arg6: memref<8x128xf32, #tpu.memory_space<vmem>>, %arg7: memref<8x!tpu.dma_semaphore, #tpu.memory_space<semaphore_mem>>, %arg8: memref<!tpu.dma_semaphore, #tpu.memory_space<semaphore_mem>>) attributes {dimension_semantics = [#tpu.dimension_semantics<core_parallel>, #tpu.dimension_semantics<subcore_parallel>], iteration_bounds = array<i64: 1, 16>, scalar_prefetch = 0 : i64, scratch_operands = 4 : i64, tpu.core_type = #tpu.core_type<sc_vector_subcore>, window_params = [{transform_indices = #map}, {transform_indices = #map1}, {transform_indices = #map1}]} {
    %mul3A = arith.constant 1 : i32
    %mul3A_0 = arith.muli %arg1, %mul3A : i32
    %add3A = arith.addi %mul3A_0, %arg0 : i32
    %mul3A_1 = arith.constant 8 : i32
    %mul3A_2 = arith.muli %add3A, %mul3A_1 : i32
    %add3A_3 = arith.constant 0 : i32
    %add3A_4 = arith.addi %mul3A_2, %add3A_3 : i32
    %dma_start3A = arith.constant 0 : i32
    %dma_start3A_5 = arith.constant 0 : i32
    %dma_start3A_6 = arith.constant 0 : i32
    %dma_start3A_7 = tpu.memref_slice %arg5[%dma_start3A, %dma_start3A_6] : memref<8x128xi32, #tpu.memory_space<vmem>> -> memref<1x128xi32, #tpu.memory_space<vmem>>
    %dma_start3A_8 = tpu.memref_squeeze %dma_start3A_7 : memref<1x128xi32, #tpu.memory_space<vmem>> -> memref<128xi32, #tpu.memory_space<vmem>>
    %dma_start3A_9 = arith.constant 0 : i32
    %dma_start3A_10 = tpu.memref_slice %arg3[%add3A_4, %dma_start3A_9] : memref<128x128xi32, #tpu.memory_space<hbm>> -> memref<1x128xi32, #tpu.memory_space<hbm>>
    %dma_start3A_11 = tpu.memref_squeeze %dma_start3A_10 : memref<1x128xi32, #tpu.memory_space<hbm>> -> memref<128xi32, #tpu.memory_space<hbm>>
    %dma_start3A_12 = tpu.memref_slice %arg7[%dma_start3A_5] : memref<8x!tpu.dma_semaphore, #tpu.memory_space<semaphore_mem>> -> memref<1x!tpu.dma_semaphore, #tpu.memory_space<semaphore_mem>>
    %dma_start3A_13 = tpu.memref_squeeze %dma_start3A_12 : memref<1x!tpu.dma_semaphore, #tpu.memory_space<semaphore_mem>> -> memref<!tpu.dma_semaphore, #tpu.memory_space<semaphore_mem>>
    %dma_start3A_14 = arith.constant 0 : i32
    %dma_start3A_15 = tpu.memref_slice %arg5[%dma_start3A, %dma_start3A_14] : memref<8x128xi32, #tpu.memory_space<vmem>> -> memref<1x128xi32, #tpu.memory_space<vmem>>
    %dma_start3A_16 = tpu.memref_squeeze %dma_start3A_15 : memref<1x128xi32, #tpu.memory_space<vmem>> -> memref<128xi32, #tpu.memory_space<vmem>>
    %dma_start3A_17 = arith.constant 0 : i32
    %dma_start3A_18 = tpu.memref_slice %arg3[%add3A_4, %dma_start3A_17] : memref<128x128xi32, #tpu.memory_space<hbm>> -> memref<1x128xi32, #tpu.memory_space<hbm>>
    %dma_start3A_19 = tpu.memref_squeeze %dma_start3A_18 : memref<1x128xi32, #tpu.memory_space<hbm>> -> memref<128xi32, #tpu.memory_space<hbm>>
    tpu.enqueue_dma source(%dma_start3A_19 : memref<128xi32, #tpu.memory_space<hbm>>) target(%dma_start3A_16 : memref<128xi32, #tpu.memory_space<vmem>>) target_semaphore(%dma_start3A_13 : memref<!tpu.dma_semaphore, #tpu.memory_space<semaphore_mem>>)
    %add3A_20 = arith.constant 1 : i32
    %add3A_21 = arith.addi %mul3A_2, %add3A_20 : i32
    %dma_start3A_22 = arith.constant 1 : i32
    %dma_start3A_23 = arith.constant 1 : i32
    %dma_start3A_24 = arith.constant 0 : i32
    %dma_start3A_25 = tpu.memref_slice %arg5[%dma_start3A_22, %dma_start3A_24] : memref<8x128xi32, #tpu.memory_space<vmem>> -> memref<1x128xi32, #tpu.memory_space<vmem>>
    %dma_start3A_26 = tpu.memref_squeeze %dma_start3A_25 : memref<1x128xi32, #tpu.memory_space<vmem>> -> memref<128xi32, #tpu.memory_space<vmem>>
    %dma_start3A_27 = arith.constant 0 : i32
    %dma_start3A_28 = tpu.memref_slice %arg3[%add3A_21, %dma_start3A_27] : memref<128x128xi32, #tpu.memory_space<hbm>> -> memref<1x128xi32, #tpu.memory_space<hbm>>
    %dma_start3A_29 = tpu.memref_squeeze %dma_start3A_28 : memref<1x128xi32, #tpu.memory_space<hbm>> -> memref<128xi32, #tpu.memory_space<hbm>>
    %dma_start3A_30 = tpu.memref_slice %arg7[%dma_start3A_23] : memref<8x!tpu.dma_semaphore, #tpu.memory_space<semaphore_mem>> -> memref<1x!tpu.dma_semaphore, #tpu.memory_space<semaphore_mem>>
    %dma_start3A_31 = tpu.memref_squeeze %dma_start3A_30 : memref<1x!tpu.dma_semaphore, #tpu.memory_space<semaphore_mem>> -> memref<!tpu.dma_semaphore, #tpu.memory_space<semaphore_mem>>
    %dma_start3A_32 = arith.constant 0 : i32
    %dma_start3A_33 = tpu.memref_slice %arg5[%dma_start3A_22, %dma_start3A_32] : memref<8x128xi32, #tpu.memory_space<vmem>> -> memref<1x128xi32, #tpu.memory_space<vmem>>
    %dma_start3A_34 = tpu.memref_squeeze %dma_start3A_33 : memref<1x128xi32, #tpu.memory_space<vmem>> -> memref<128xi32, #tpu.memory_space<vmem>>
    %dma_start3A_35 = arith.constant 0 : i32
    %dma_start3A_36 = tpu.memref_slice %arg3[%add3A_21, %dma_start3A_35] : memref<128x128xi32, #tpu.memory_space<hbm>> -> memref<1x128xi32, #tpu.memory_space<hbm>>
    %dma_start3A_37 = tpu.memref_squeeze %dma_start3A_36 : memref<1x128xi32, #tpu.memory_space<hbm>> -> memref<128xi32, #tpu.memory_space<hbm>>
    tpu.enqueue_dma source(%dma_start3A_37 : memref<128xi32, #tpu.memory_space<hbm>>) target(%dma_start3A_34 : memref<128xi32, #tpu.memory_space<vmem>>) target_semaphore(%dma_start3A_31 : memref<!tpu.dma_semaphore, #tpu.memory_space<semaphore_mem>>)
    %add3A_38 = arith.constant 2 : i32
    %add3A_39 = arith.addi %mul3A_2, %add3A_38 : i32
    %dma_start3A_40 = arith.constant 2 : i32
    %dma_start3A_41 = arith.constant 2 : i32
    %dma_start3A_42 = arith.constant 0 : i32
    %dma_start3A_43 = tpu.memref_slice %arg5[%dma_start3A_40, %dma_start3A_42] : memref<8x128xi32, #tpu.memory_space<vmem>> -> memref<1x128xi32, #tpu.memory_space<vmem>>
    %dma_start3A_44 = tpu.memref_squeeze %dma_start3A_43 : memref<1x128xi32, #tpu.memory_space<vmem>> -> memref<128xi32, #tpu.memory_space<vmem>>
    %dma_start3A_45 = arith.constant 0 : i32
    %dma_start3A_46 = tpu.memref_slice %arg3[%add3A_39, %dma_start3A_45] : memref<128x128xi32, #tpu.memory_space<hbm>> -> memref<1x128xi32, #tpu.memory_space<hbm>>
    %dma_start3A_47 = tpu.memref_squeeze %dma_start3A_46 : memref<1x128xi32, #tpu.memory_space<hbm>> -> memref<128xi32, #tpu.memory_space<hbm>>
    %dma_start3A_48 = tpu.memref_slice %arg7[%dma_start3A_41] : memref<8x!tpu.dma_semaphore, #tpu.memory_space<semaphore_mem>> -> memref<1x!tpu.dma_semaphore, #tpu.memory_space<semaphore_mem>>
    %dma_start3A_49 = tpu.memref_squeeze %dma_start3A_48 : memref<1x!tpu.dma_semaphore, #tpu.memory_space<semaphore_mem>> -> memref<!tpu.dma_semaphore, #tpu.memory_space<semaphore_mem>>
    %dma_start3A_50 = arith.constant 0 : i32
    %dma_start3A_51 = tpu.memref_slice %arg5[%dma_start3A_40, %dma_start3A_50] : memref<8x128xi32, #tpu.memory_space<vmem>> -> memref<1x128xi32, #tpu.memory_space<vmem>>
    %dma_start3A_52 = tpu.memref_squeeze %dma_start3A_51 : memref<1x128xi32, #tpu.memory_space<vmem>> -> memref<128xi32, #tpu.memory_space<vmem>>
    %dma_start3A_53 = arith.constant 0 : i32
    %dma_start3A_54 = tpu.memref_slice %arg3[%add3A_39, %dma_start3A_53] : memref<128x128xi32, #tpu.memory_space<hbm>> -> memref<1x128xi32, #tpu.memory_space<hbm>>
    %dma_start3A_55 = tpu.memref_squeeze %dma_start3A_54 : memref<1x128xi32, #tpu.memory_space<hbm>> -> memref<128xi32, #tpu.memory_space<hbm>>
    tpu.enqueue_dma source(%dma_start3A_55 : memref<128xi32, #tpu.memory_space<hbm>>) target(%dma_start3A_52 : memref<128xi32, #tpu.memory_space<vmem>>) target_semaphore(%dma_start3A_49 : memref<!tpu.dma_semaphore, #tpu.memory_space<semaphore_mem>>)
    %add3A_56 = arith.constant 3 : i32
    %add3A_57 = arith.addi %mul3A_2, %add3A_56 : i32
    %dma_start3A_58 = arith.constant 3 : i32
    %dma_start3A_59 = arith.constant 3 : i32
    %dma_start3A_60 = arith.constant 0 : i32
    %dma_start3A_61 = tpu.memref_slice %arg5[%dma_start3A_58, %dma_start3A_60] : memref<8x128xi32, #tpu.memory_space<vmem>> -> memref<1x128xi32, #tpu.memory_space<vmem>>
    %dma_start3A_62 = tpu.memref_squeeze %dma_start3A_61 : memref<1x128xi32, #tpu.memory_space<vmem>> -> memref<128xi32, #tpu.memory_space<vmem>>
    %dma_start3A_63 = arith.constant 0 : i32
    %dma_start3A_64 = tpu.memref_slice %arg3[%add3A_57, %dma_start3A_63] : memref<128x128xi32, #tpu.memory_space<hbm>> -> memref<1x128xi32, #tpu.memory_space<hbm>>
    %dma_start3A_65 = tpu.memref_squeeze %dma_start3A_64 : memref<1x128xi32, #tpu.memory_space<hbm>> -> memref<128xi32, #tpu.memory_space<hbm>>
    %dma_start3A_66 = tpu.memref_slice %arg7[%dma_start3A_59] : memref<8x!tpu.dma_semaphore, #tpu.memory_space<semaphore_mem>> -> memref<1x!tpu.dma_semaphore, #tpu.memory_space<semaphore_mem>>
    %dma_start3A_67 = tpu.memref_squeeze %dma_start3A_66 : memref<1x!tpu.dma_semaphore, #tpu.memory_space<semaphore_mem>> -> memref<!tpu.dma_semaphore, #tpu.memory_space<semaphore_mem>>
    %dma_start3A_68 = arith.constant 0 : i32
    %dma_start3A_69 = tpu.memref_slice %arg5[%dma_start3A_58, %dma_start3A_68] : memref<8x128xi32, #tpu.memory_space<vmem>> -> memref<1x128xi32, #tpu.memory_space<vmem>>
    %dma_start3A_70 = tpu.memref_squeeze %dma_start3A_69 : memref<1x128xi32, #tpu.memory_space<vmem>> -> memref<128xi32, #tpu.memory_space<vmem>>
    %dma_start3A_71 = arith.constant 0 : i32
    %dma_start3A_72 = tpu.memref_slice %arg3[%add3A_57, %dma_start3A_71] : memref<128x128xi32, #tpu.memory_space<hbm>> -> memref<1x128xi32, #tpu.memory_space<hbm>>
    %dma_start3A_73 = tpu.memref_squeeze %dma_start3A_72 : memref<1x128xi32, #tpu.memory_space<hbm>> -> memref<128xi32, #tpu.memory_space<hbm>>
    tpu.enqueue_dma source(%dma_start3A_73 : memref<128xi32, #tpu.memory_space<hbm>>) target(%dma_start3A_70 : memref<128xi32, #tpu.memory_space<vmem>>) target_semaphore(%dma_start3A_67 : memref<!tpu.dma_semaphore, #tpu.memory_space<semaphore_mem>>)
    %add3A_74 = arith.constant 4 : i32
    %add3A_75 = arith.addi %mul3A_2, %add3A_74 : i32
    %dma_start3A_76 = arith.constant 4 : i32
    %dma_start3A_77 = arith.constant 4 : i32
    %dma_start3A_78 = arith.constant 0 : i32
    %dma_start3A_79 = tpu.memref_slice %arg5[%dma_start3A_76, %dma_start3A_78] : memref<8x128xi32, #tpu.memory_space<vmem>> -> memref<1x128xi32, #tpu.memory_space<vmem>>
    %dma_start3A_80 = tpu.memref_squeeze %dma_start3A_79 : memref<1x128xi32, #tpu.memory_space<vmem>> -> memref<128xi32, #tpu.memory_space<vmem>>
    %dma_start3A_81 = arith.constant 0 : i32
    %dma_start3A_82 = tpu.memref_slice %arg3[%add3A_75, %dma_start3A_81] : memref<128x128xi32, #tpu.memory_space<hbm>> -> memref<1x128xi32, #tpu.memory_space<hbm>>
    %dma_start3A_83 = tpu.memref_squeeze %dma_start3A_82 : memref<1x128xi32, #tpu.memory_space<hbm>> -> memref<128xi32, #tpu.memory_space<hbm>>
    %dma_start3A_84 = tpu.memref_slice %arg7[%dma_start3A_77] : memref<8x!tpu.dma_semaphore, #tpu.memory_space<semaphore_mem>> -> memref<1x!tpu.dma_semaphore, #tpu.memory_space<semaphore_mem>>
    %dma_start3A_85 = tpu.memref_squeeze %dma_start3A_84 : memref<1x!tpu.dma_semaphore, #tpu.memory_space<semaphore_mem>> -> memref<!tpu.dma_semaphore, #tpu.memory_space<semaphore_mem>>
    %dma_start3A_86 = arith.constant 0 : i32
    %dma_start3A_87 = tpu.memref_slice %arg5[%dma_start3A_76, %dma_start3A_86] : memref<8x128xi32, #tpu.memory_space<vmem>> -> memref<1x128xi32, #tpu.memory_space<vmem>>
    %dma_start3A_88 = tpu.memref_squeeze %dma_start3A_87 : memref<1x128xi32, #tpu.memory_space<vmem>> -> memref<128xi32, #tpu.memory_space<vmem>>
    %dma_start3A_89 = arith.constant 0 : i32
    %dma_start3A_90 = tpu.memref_slice %arg3[%add3A_75, %dma_start3A_89] : memref<128x128xi32, #tpu.memory_space<hbm>> -> memref<1x128xi32, #tpu.memory_space<hbm>>
    %dma_start3A_91 = tpu.memref_squeeze %dma_start3A_90 : memref<1x128xi32, #tpu.memory_space<hbm>> -> memref<128xi32, #tpu.memory_space<hbm>>
    tpu.enqueue_dma source(%dma_start3A_91 : memref<128xi32, #tpu.memory_space<hbm>>) target(%dma_start3A_88 : memref<128xi32, #tpu.memory_space<vmem>>) target_semaphore(%dma_start3A_85 : memref<!tpu.dma_semaphore, #tpu.memory_space<semaphore_mem>>)
    %add3A_92 = arith.constant 5 : i32
    %add3A_93 = arith.addi %mul3A_2, %add3A_92 : i32
    %dma_start3A_94 = arith.constant 5 : i32
    %dma_start3A_95 = arith.constant 5 : i32
    %dma_start3A_96 = arith.constant 0 : i32
    %dma_start3A_97 = tpu.memref_slice %arg5[%dma_start3A_94, %dma_start3A_96] : memref<8x128xi32, #tpu.memory_space<vmem>> -> memref<1x128xi32, #tpu.memory_space<vmem>>
    %dma_start3A_98 = tpu.memref_squeeze %dma_start3A_97 : memref<1x128xi32, #tpu.memory_space<vmem>> -> memref<128xi32, #tpu.memory_space<vmem>>
    %dma_start3A_99 = arith.constant 0 : i32
    %dma_start3A_100 = tpu.memref_slice %arg3[%add3A_93, %dma_start3A_99] : memref<128x128xi32, #tpu.memory_space<hbm>> -> memref<1x128xi32, #tpu.memory_space<hbm>>
    %dma_start3A_101 = tpu.memref_squeeze %dma_start3A_100 : memref<1x128xi32, #tpu.memory_space<hbm>> -> memref<128xi32, #tpu.memory_space<hbm>>
    %dma_start3A_102 = tpu.memref_slice %arg7[%dma_start3A_95] : memref<8x!tpu.dma_semaphore, #tpu.memory_space<semaphore_mem>> -> memref<1x!tpu.dma_semaphore, #tpu.memory_space<semaphore_mem>>
    %dma_start3A_103 = tpu.memref_squeeze %dma_start3A_102 : memref<1x!tpu.dma_semaphore, #tpu.memory_space<semaphore_mem>> -> memref<!tpu.dma_semaphore, #tpu.memory_space<semaphore_mem>>
    %dma_start3A_104 = arith.constant 0 : i32
    %dma_start3A_105 = tpu.memref_slice %arg5[%dma_start3A_94, %dma_start3A_104] : memref<8x128xi32, #tpu.memory_space<vmem>> -> memref<1x128xi32, #tpu.memory_space<vmem>>
    %dma_start3A_106 = tpu.memref_squeeze %dma_start3A_105 : memref<1x128xi32, #tpu.memory_space<vmem>> -> memref<128xi32, #tpu.memory_space<vmem>>
    %dma_start3A_107 = arith.constant 0 : i32
    %dma_start3A_108 = tpu.memref_slice %arg3[%add3A_93, %dma_start3A_107] : memref<128x128xi32, #tpu.memory_space<hbm>> -> memref<1x128xi32, #tpu.memory_space<hbm>>
    %dma_start3A_109 = tpu.memref_squeeze %dma_start3A_108 : memref<1x128xi32, #tpu.memory_space<hbm>> -> memref<128xi32, #tpu.memory_space<hbm>>
    tpu.enqueue_dma source(%dma_start3A_109 : memref<128xi32, #tpu.memory_space<hbm>>) target(%dma_start3A_106 : memref<128xi32, #tpu.memory_space<vmem>>) target_semaphore(%dma_start3A_103 : memref<!tpu.dma_semaphore, #tpu.memory_space<semaphore_mem>>)
    %add3A_110 = arith.constant 6 : i32
    %add3A_111 = arith.addi %mul3A_2, %add3A_110 : i32
    %dma_start3A_112 = arith.constant 6 : i32
    %dma_start3A_113 = arith.constant 6 : i32
    %dma_start3A_114 = arith.constant 0 : i32
    %dma_start3A_115 = tpu.memref_slice %arg5[%dma_start3A_112, %dma_start3A_114] : memref<8x128xi32, #tpu.memory_space<vmem>> -> memref<1x128xi32, #tpu.memory_space<vmem>>
    %dma_start3A_116 = tpu.memref_squeeze %dma_start3A_115 : memref<1x128xi32, #tpu.memory_space<vmem>> -> memref<128xi32, #tpu.memory_space<vmem>>
    %dma_start3A_117 = arith.constant 0 : i32
    %dma_start3A_118 = tpu.memref_slice %arg3[%add3A_111, %dma_start3A_117] : memref<128x128xi32, #tpu.memory_space<hbm>> -> memref<1x128xi32, #tpu.memory_space<hbm>>
    %dma_start3A_119 = tpu.memref_squeeze %dma_start3A_118 : memref<1x128xi32, #tpu.memory_space<hbm>> -> memref<128xi32, #tpu.memory_space<hbm>>
    %dma_start3A_120 = tpu.memref_slice %arg7[%dma_start3A_113] : memref<8x!tpu.dma_semaphore, #tpu.memory_space<semaphore_mem>> -> memref<1x!tpu.dma_semaphore, #tpu.memory_space<semaphore_mem>>
    %dma_start3A_121 = tpu.memref_squeeze %dma_start3A_120 : memref<1x!tpu.dma_semaphore, #tpu.memory_space<semaphore_mem>> -> memref<!tpu.dma_semaphore, #tpu.memory_space<semaphore_mem>>
    %dma_start3A_122 = arith.constant 0 : i32
    %dma_start3A_123 = tpu.memref_slice %arg5[%dma_start3A_112, %dma_start3A_122] : memref<8x128xi32, #tpu.memory_space<vmem>> -> memref<1x128xi32, #tpu.memory_space<vmem>>
    %dma_start3A_124 = tpu.memref_squeeze %dma_start3A_123 : memref<1x128xi32, #tpu.memory_space<vmem>> -> memref<128xi32, #tpu.memory_space<vmem>>
    %dma_start3A_125 = arith.constant 0 : i32
    %dma_start3A_126 = tpu.memref_slice %arg3[%add3A_111, %dma_start3A_125] : memref<128x128xi32, #tpu.memory_space<hbm>> -> memref<1x128xi32, #tpu.memory_space<hbm>>
    %dma_start3A_127 = tpu.memref_squeeze %dma_start3A_126 : memref<1x128xi32, #tpu.memory_space<hbm>> -> memref<128xi32, #tpu.memory_space<hbm>>
    tpu.enqueue_dma source(%dma_start3A_127 : memref<128xi32, #tpu.memory_space<hbm>>) target(%dma_start3A_124 : memref<128xi32, #tpu.memory_space<vmem>>) target_semaphore(%dma_start3A_121 : memref<!tpu.dma_semaphore, #tpu.memory_space<semaphore_mem>>)
    %add3A_128 = arith.constant 7 : i32
    %add3A_129 = arith.addi %mul3A_2, %add3A_128 : i32
    %dma_start3A_130 = arith.constant 7 : i32
    %dma_start3A_131 = arith.constant 7 : i32
    %dma_start3A_132 = arith.constant 0 : i32
    %dma_start3A_133 = tpu.memref_slice %arg5[%dma_start3A_130, %dma_start3A_132] : memref<8x128xi32, #tpu.memory_space<vmem>> -> memref<1x128xi32, #tpu.memory_space<vmem>>
    %dma_start3A_134 = tpu.memref_squeeze %dma_start3A_133 : memref<1x128xi32, #tpu.memory_space<vmem>> -> memref<128xi32, #tpu.memory_space<vmem>>
    %dma_start3A_135 = arith.constant 0 : i32
    %dma_start3A_136 = tpu.memref_slice %arg3[%add3A_129, %dma_start3A_135] : memref<128x128xi32, #tpu.memory_space<hbm>> -> memref<1x128xi32, #tpu.memory_space<hbm>>
    %dma_start3A_137 = tpu.memref_squeeze %dma_start3A_136 : memref<1x128xi32, #tpu.memory_space<hbm>> -> memref<128xi32, #tpu.memory_space<hbm>>
    %dma_start3A_138 = tpu.memref_slice %arg7[%dma_start3A_131] : memref<8x!tpu.dma_semaphore, #tpu.memory_space<semaphore_mem>> -> memref<1x!tpu.dma_semaphore, #tpu.memory_space<semaphore_mem>>
    %dma_start3A_139 = tpu.memref_squeeze %dma_start3A_138 : memref<1x!tpu.dma_semaphore, #tpu.memory_space<semaphore_mem>> -> memref<!tpu.dma_semaphore, #tpu.memory_space<semaphore_mem>>
    %dma_start3A_140 = arith.constant 0 : i32
    %dma_start3A_141 = tpu.memref_slice %arg5[%dma_start3A_130, %dma_start3A_140] : memref<8x128xi32, #tpu.memory_space<vmem>> -> memref<1x128xi32, #tpu.memory_space<vmem>>
    %dma_start3A_142 = tpu.memref_squeeze %dma_start3A_141 : memref<1x128xi32, #tpu.memory_space<vmem>> -> memref<128xi32, #tpu.memory_space<vmem>>
    %dma_start3A_143 = arith.constant 0 : i32
    %dma_start3A_144 = tpu.memref_slice %arg3[%add3A_129, %dma_start3A_143] : memref<128x128xi32, #tpu.memory_space<hbm>> -> memref<1x128xi32, #tpu.memory_space<hbm>>
    %dma_start3A_145 = tpu.memref_squeeze %dma_start3A_144 : memref<1x128xi32, #tpu.memory_space<hbm>> -> memref<128xi32, #tpu.memory_space<hbm>>
    tpu.enqueue_dma source(%dma_start3A_145 : memref<128xi32, #tpu.memory_space<hbm>>) target(%dma_start3A_142 : memref<128xi32, #tpu.memory_space<vmem>>) target_semaphore(%dma_start3A_139 : memref<!tpu.dma_semaphore, #tpu.memory_space<semaphore_mem>>)
    %dma_wait3A = arith.constant 0 : i32
    %dma_wait3A_146 = arith.constant 0 : i32
    %dma_wait3A_147 = arith.constant 0 : i32
    %dma_wait3A_148 = tpu.memref_slice %arg5[%dma_wait3A, %dma_wait3A_147] : memref<8x128xi32, #tpu.memory_space<vmem>> -> memref<1x128xi32, #tpu.memory_space<vmem>>
    %dma_wait3A_149 = tpu.memref_squeeze %dma_wait3A_148 : memref<1x128xi32, #tpu.memory_space<vmem>> -> memref<128xi32, #tpu.memory_space<vmem>>
    %dma_wait3A_150 = arith.constant 0 : i32
    %dma_wait3A_151 = tpu.memref_slice %arg3[%add3A_4, %dma_wait3A_150] : memref<128x128xi32, #tpu.memory_space<hbm>> -> memref<1x128xi32, #tpu.memory_space<hbm>>
    %dma_wait3A_152 = tpu.memref_squeeze %dma_wait3A_151 : memref<1x128xi32, #tpu.memory_space<hbm>> -> memref<128xi32, #tpu.memory_space<hbm>>
    %dma_wait3A_153 = tpu.memref_slice %arg7[%dma_wait3A_146] : memref<8x!tpu.dma_semaphore, #tpu.memory_space<semaphore_mem>> -> memref<1x!tpu.dma_semaphore, #tpu.memory_space<semaphore_mem>>
    %dma_wait3A_154 = tpu.memref_squeeze %dma_wait3A_153 : memref<1x!tpu.dma_semaphore, #tpu.memory_space<semaphore_mem>> -> memref<!tpu.dma_semaphore, #tpu.memory_space<semaphore_mem>>
    %dma_wait3A_155 = arith.constant 0 : i32
    %dma_wait3A_156 = tpu.memref_slice %arg5[%dma_wait3A, %dma_wait3A_155] : memref<8x128xi32, #tpu.memory_space<vmem>> -> memref<1x128xi32, #tpu.memory_space<vmem>>
    %dma_wait3A_157 = tpu.memref_squeeze %dma_wait3A_156 : memref<1x128xi32, #tpu.memory_space<vmem>> -> memref<128xi32, #tpu.memory_space<vmem>>
    %dma_wait3A_158 = arith.constant 0 : i32
    %dma_wait3A_159 = tpu.memref_slice %arg3[%add3A_4, %dma_wait3A_158] : memref<128x128xi32, #tpu.memory_space<hbm>> -> memref<1x128xi32, #tpu.memory_space<hbm>>
    %dma_wait3A_160 = tpu.memref_squeeze %dma_wait3A_159 : memref<1x128xi32, #tpu.memory_space<hbm>> -> memref<128xi32, #tpu.memory_space<hbm>>
    tpu.wait_dma2 semaphore(%dma_wait3A_154 : memref<!tpu.dma_semaphore, #tpu.memory_space<semaphore_mem>>) src(%dma_wait3A_160 : memref<128xi32, #tpu.memory_space<hbm>>) dst(%dma_wait3A_157 : memref<128xi32, #tpu.memory_space<vmem>>)
    %dma_start3A_161 = arith.constant 0 : i32
    %dma_start3A_162 = arith.constant 0 : i32
    %dma_start3A_163 = arith.constant 0 : i32
    %dma_start3A_164 = tpu.memref_slice %arg6[%dma_start3A_162, %dma_start3A_163] : memref<8x128xf32, #tpu.memory_space<vmem>> -> memref<1x128xf32, #tpu.memory_space<vmem>>
    %dma_start3A_165 = tpu.memref_squeeze %dma_start3A_164 : memref<1x128xf32, #tpu.memory_space<vmem>> -> memref<128xf32, #tpu.memory_space<vmem>>
    %dma_start3A_166 = arith.constant 0 : i32
    %dma_start3A_167 = tpu.memref_slice %arg5[%dma_start3A_161, %dma_start3A_166] : memref<8x128xi32, #tpu.memory_space<vmem>> -> memref<1x128xi32, #tpu.memory_space<vmem>>
    %dma_start3A_168 = tpu.memref_squeeze %dma_start3A_167 : memref<1x128xi32, #tpu.memory_space<vmem>> -> memref<128xi32, #tpu.memory_space<vmem>>
    %dma_start3A_169 = arith.constant 0 : i32
    %dma_start3A_170 = tpu.memref_slice %arg2[%dma_start3A_169] : memref<1000000xf32, #tpu.memory_space<hbm>> -> memref<1000000xf32, #tpu.memory_space<hbm>>
    tpu.enqueue_indirect_dma source(%dma_start3A_170 : memref<1000000xf32, #tpu.memory_space<hbm>>) target(%dma_start3A_165 : memref<128xf32, #tpu.memory_space<vmem>>) offsets(%dma_start3A_168 : memref<128xi32, #tpu.memory_space<vmem>>) semaphore(%arg8 : memref<!tpu.dma_semaphore, #tpu.memory_space<semaphore_mem>>)
    %dma_wait3A_171 = arith.constant 1 : i32
    %dma_wait3A_172 = arith.constant 1 : i32
    %dma_wait3A_173 = arith.constant 0 : i32
    %dma_wait3A_174 = tpu.memref_slice %arg5[%dma_wait3A_171, %dma_wait3A_173] : memref<8x128xi32, #tpu.memory_space<vmem>> -> memref<1x128xi32, #tpu.memory_space<vmem>>
    %dma_wait3A_175 = tpu.memref_squeeze %dma_wait3A_174 : memref<1x128xi32, #tpu.memory_space<vmem>> -> memref<128xi32, #tpu.memory_space<vmem>>
    %dma_wait3A_176 = arith.constant 0 : i32
    %dma_wait3A_177 = tpu.memref_slice %arg3[%add3A_21, %dma_wait3A_176] : memref<128x128xi32, #tpu.memory_space<hbm>> -> memref<1x128xi32, #tpu.memory_space<hbm>>
    %dma_wait3A_178 = tpu.memref_squeeze %dma_wait3A_177 : memref<1x128xi32, #tpu.memory_space<hbm>> -> memref<128xi32, #tpu.memory_space<hbm>>
    %dma_wait3A_179 = tpu.memref_slice %arg7[%dma_wait3A_172] : memref<8x!tpu.dma_semaphore, #tpu.memory_space<semaphore_mem>> -> memref<1x!tpu.dma_semaphore, #tpu.memory_space<semaphore_mem>>
    %dma_wait3A_180 = tpu.memref_squeeze %dma_wait3A_179 : memref<1x!tpu.dma_semaphore, #tpu.memory_space<semaphore_mem>> -> memref<!tpu.dma_semaphore, #tpu.memory_space<semaphore_mem>>
    %dma_wait3A_181 = arith.constant 0 : i32
    %dma_wait3A_182 = tpu.memref_slice %arg5[%dma_wait3A_171, %dma_wait3A_181] : memref<8x128xi32, #tpu.memory_space<vmem>> -> memref<1x128xi32, #tpu.memory_space<vmem>>
    %dma_wait3A_183 = tpu.memref_squeeze %dma_wait3A_182 : memref<1x128xi32, #tpu.memory_space<vmem>> -> memref<128xi32, #tpu.memory_space<vmem>>
    %dma_wait3A_184 = arith.constant 0 : i32
    %dma_wait3A_185 = tpu.memref_slice %arg3[%add3A_21, %dma_wait3A_184] : memref<128x128xi32, #tpu.memory_space<hbm>> -> memref<1x128xi32, #tpu.memory_space<hbm>>
    %dma_wait3A_186 = tpu.memref_squeeze %dma_wait3A_185 : memref<1x128xi32, #tpu.memory_space<hbm>> -> memref<128xi32, #tpu.memory_space<hbm>>
    tpu.wait_dma2 semaphore(%dma_wait3A_180 : memref<!tpu.dma_semaphore, #tpu.memory_space<semaphore_mem>>) src(%dma_wait3A_186 : memref<128xi32, #tpu.memory_space<hbm>>) dst(%dma_wait3A_183 : memref<128xi32, #tpu.memory_space<vmem>>)
    %dma_start3A_187 = arith.constant 1 : i32
    %dma_start3A_188 = arith.constant 1 : i32
    %dma_start3A_189 = arith.constant 0 : i32
    %dma_start3A_190 = tpu.memref_slice %arg6[%dma_start3A_188, %dma_start3A_189] : memref<8x128xf32, #tpu.memory_space<vmem>> -> memref<1x128xf32, #tpu.memory_space<vmem>>
    %dma_start3A_191 = tpu.memref_squeeze %dma_start3A_190 : memref<1x128xf32, #tpu.memory_space<vmem>> -> memref<128xf32, #tpu.memory_space<vmem>>
    %dma_start3A_192 = arith.constant 0 : i32
    %dma_start3A_193 = tpu.memref_slice %arg5[%dma_start3A_187, %dma_start3A_192] : memref<8x128xi32, #tpu.memory_space<vmem>> -> memref<1x128xi32, #tpu.memory_space<vmem>>
    %dma_start3A_194 = tpu.memref_squeeze %dma_start3A_193 : memref<1x128xi32, #tpu.memory_space<vmem>> -> memref<128xi32, #tpu.memory_space<vmem>>
    %dma_start3A_195 = arith.constant 0 : i32
    %dma_start3A_196 = tpu.memref_slice %arg2[%dma_start3A_195] : memref<1000000xf32, #tpu.memory_space<hbm>> -> memref<1000000xf32, #tpu.memory_space<hbm>>
    tpu.enqueue_indirect_dma source(%dma_start3A_196 : memref<1000000xf32, #tpu.memory_space<hbm>>) target(%dma_start3A_191 : memref<128xf32, #tpu.memory_space<vmem>>) offsets(%dma_start3A_194 : memref<128xi32, #tpu.memory_space<vmem>>) semaphore(%arg8 : memref<!tpu.dma_semaphore, #tpu.memory_space<semaphore_mem>>)
    %dma_wait3A_197 = arith.constant 2 : i32
    %dma_wait3A_198 = arith.constant 2 : i32
    %dma_wait3A_199 = arith.constant 0 : i32
    %dma_wait3A_200 = tpu.memref_slice %arg5[%dma_wait3A_197, %dma_wait3A_199] : memref<8x128xi32, #tpu.memory_space<vmem>> -> memref<1x128xi32, #tpu.memory_space<vmem>>
    %dma_wait3A_201 = tpu.memref_squeeze %dma_wait3A_200 : memref<1x128xi32, #tpu.memory_space<vmem>> -> memref<128xi32, #tpu.memory_space<vmem>>
    %dma_wait3A_202 = arith.constant 0 : i32
    %dma_wait3A_203 = tpu.memref_slice %arg3[%add3A_39, %dma_wait3A_202] : memref<128x128xi32, #tpu.memory_space<hbm>> -> memref<1x128xi32, #tpu.memory_space<hbm>>
    %dma_wait3A_204 = tpu.memref_squeeze %dma_wait3A_203 : memref<1x128xi32, #tpu.memory_space<hbm>> -> memref<128xi32, #tpu.memory_space<hbm>>
    %dma_wait3A_205 = tpu.memref_slice %arg7[%dma_wait3A_198] : memref<8x!tpu.dma_semaphore, #tpu.memory_space<semaphore_mem>> -> memref<1x!tpu.dma_semaphore, #tpu.memory_space<semaphore_mem>>
    %dma_wait3A_206 = tpu.memref_squeeze %dma_wait3A_205 : memref<1x!tpu.dma_semaphore, #tpu.memory_space<semaphore_mem>> -> memref<!tpu.dma_semaphore, #tpu.memory_space<semaphore_mem>>
    %dma_wait3A_207 = arith.constant 0 : i32
    %dma_wait3A_208 = tpu.memref_slice %arg5[%dma_wait3A_197, %dma_wait3A_207] : memref<8x128xi32, #tpu.memory_space<vmem>> -> memref<1x128xi32, #tpu.memory_space<vmem>>
    %dma_wait3A_209 = tpu.memref_squeeze %dma_wait3A_208 : memref<1x128xi32, #tpu.memory_space<vmem>> -> memref<128xi32, #tpu.memory_space<vmem>>
    %dma_wait3A_210 = arith.constant 0 : i32
    %dma_wait3A_211 = tpu.memref_slice %arg3[%add3A_39, %dma_wait3A_210] : memref<128x128xi32, #tpu.memory_space<hbm>> -> memref<1x128xi32, #tpu.memory_space<hbm>>
    %dma_wait3A_212 = tpu.memref_squeeze %dma_wait3A_211 : memref<1x128xi32, #tpu.memory_space<hbm>> -> memref<128xi32, #tpu.memory_space<hbm>>
    tpu.wait_dma2 semaphore(%dma_wait3A_206 : memref<!tpu.dma_semaphore, #tpu.memory_space<semaphore_mem>>) src(%dma_wait3A_212 : memref<128xi32, #tpu.memory_space<hbm>>) dst(%dma_wait3A_209 : memref<128xi32, #tpu.memory_space<vmem>>)
    %dma_start3A_213 = arith.constant 2 : i32
    %dma_start3A_214 = arith.constant 2 : i32
    %dma_start3A_215 = arith.constant 0 : i32
    %dma_start3A_216 = tpu.memref_slice %arg6[%dma_start3A_214, %dma_start3A_215] : memref<8x128xf32, #tpu.memory_space<vmem>> -> memref<1x128xf32, #tpu.memory_space<vmem>>
    %dma_start3A_217 = tpu.memref_squeeze %dma_start3A_216 : memref<1x128xf32, #tpu.memory_space<vmem>> -> memref<128xf32, #tpu.memory_space<vmem>>
    %dma_start3A_218 = arith.constant 0 : i32
    %dma_start3A_219 = tpu.memref_slice %arg5[%dma_start3A_213, %dma_start3A_218] : memref<8x128xi32, #tpu.memory_space<vmem>> -> memref<1x128xi32, #tpu.memory_space<vmem>>
    %dma_start3A_220 = tpu.memref_squeeze %dma_start3A_219 : memref<1x128xi32, #tpu.memory_space<vmem>> -> memref<128xi32, #tpu.memory_space<vmem>>
    %dma_start3A_221 = arith.constant 0 : i32
    %dma_start3A_222 = tpu.memref_slice %arg2[%dma_start3A_221] : memref<1000000xf32, #tpu.memory_space<hbm>> -> memref<1000000xf32, #tpu.memory_space<hbm>>
    tpu.enqueue_indirect_dma source(%dma_start3A_222 : memref<1000000xf32, #tpu.memory_space<hbm>>) target(%dma_start3A_217 : memref<128xf32, #tpu.memory_space<vmem>>) offsets(%dma_start3A_220 : memref<128xi32, #tpu.memory_space<vmem>>) semaphore(%arg8 : memref<!tpu.dma_semaphore, #tpu.memory_space<semaphore_mem>>)
    %dma_wait3A_223 = arith.constant 3 : i32
    %dma_wait3A_224 = arith.constant 3 : i32
    %dma_wait3A_225 = arith.constant 0 : i32
    %dma_wait3A_226 = tpu.memref_slice %arg5[%dma_wait3A_223, %dma_wait3A_225] : memref<8x128xi32, #tpu.memory_space<vmem>> -> memref<1x128xi32, #tpu.memory_space<vmem>>
    %dma_wait3A_227 = tpu.memref_squeeze %dma_wait3A_226 : memref<1x128xi32, #tpu.memory_space<vmem>> -> memref<128xi32, #tpu.memory_space<vmem>>
    %dma_wait3A_228 = arith.constant 0 : i32
    %dma_wait3A_229 = tpu.memref_slice %arg3[%add3A_57, %dma_wait3A_228] : memref<128x128xi32, #tpu.memory_space<hbm>> -> memref<1x128xi32, #tpu.memory_space<hbm>>
    %dma_wait3A_230 = tpu.memref_squeeze %dma_wait3A_229 : memref<1x128xi32, #tpu.memory_space<hbm>> -> memref<128xi32, #tpu.memory_space<hbm>>
    %dma_wait3A_231 = tpu.memref_slice %arg7[%dma_wait3A_224] : memref<8x!tpu.dma_semaphore, #tpu.memory_space<semaphore_mem>> -> memref<1x!tpu.dma_semaphore, #tpu.memory_space<semaphore_mem>>
    %dma_wait3A_232 = tpu.memref_squeeze %dma_wait3A_231 : memref<1x!tpu.dma_semaphore, #tpu.memory_space<semaphore_mem>> -> memref<!tpu.dma_semaphore, #tpu.memory_space<semaphore_mem>>
    %dma_wait3A_233 = arith.constant 0 : i32
    %dma_wait3A_234 = tpu.memref_slice %arg5[%dma_wait3A_223, %dma_wait3A_233] : memref<8x128xi32, #tpu.memory_space<vmem>> -> memref<1x128xi32, #tpu.memory_space<vmem>>
    %dma_wait3A_235 = tpu.memref_squeeze %dma_wait3A_234 : memref<1x128xi32, #tpu.memory_space<vmem>> -> memref<128xi32, #tpu.memory_space<vmem>>
    %dma_wait3A_236 = arith.constant 0 : i32
    %dma_wait3A_237 = tpu.memref_slice %arg3[%add3A_57, %dma_wait3A_236] : memref<128x128xi32, #tpu.memory_space<hbm>> -> memref<1x128xi32, #tpu.memory_space<hbm>>
    %dma_wait3A_238 = tpu.memref_squeeze %dma_wait3A_237 : memref<1x128xi32, #tpu.memory_space<hbm>> -> memref<128xi32, #tpu.memory_space<hbm>>
    tpu.wait_dma2 semaphore(%dma_wait3A_232 : memref<!tpu.dma_semaphore, #tpu.memory_space<semaphore_mem>>) src(%dma_wait3A_238 : memref<128xi32, #tpu.memory_space<hbm>>) dst(%dma_wait3A_235 : memref<128xi32, #tpu.memory_space<vmem>>)
    %dma_start3A_239 = arith.constant 3 : i32
    %dma_start3A_240 = arith.constant 3 : i32
    %dma_start3A_241 = arith.constant 0 : i32
    %dma_start3A_242 = tpu.memref_slice %arg6[%dma_start3A_240, %dma_start3A_241] : memref<8x128xf32, #tpu.memory_space<vmem>> -> memref<1x128xf32, #tpu.memory_space<vmem>>
    %dma_start3A_243 = tpu.memref_squeeze %dma_start3A_242 : memref<1x128xf32, #tpu.memory_space<vmem>> -> memref<128xf32, #tpu.memory_space<vmem>>
    %dma_start3A_244 = arith.constant 0 : i32
    %dma_start3A_245 = tpu.memref_slice %arg5[%dma_start3A_239, %dma_start3A_244] : memref<8x128xi32, #tpu.memory_space<vmem>> -> memref<1x128xi32, #tpu.memory_space<vmem>>
    %dma_start3A_246 = tpu.memref_squeeze %dma_start3A_245 : memref<1x128xi32, #tpu.memory_space<vmem>> -> memref<128xi32, #tpu.memory_space<vmem>>
    %dma_start3A_247 = arith.constant 0 : i32
    %dma_start3A_248 = tpu.memref_slice %arg2[%dma_start3A_247] : memref<1000000xf32, #tpu.memory_space<hbm>> -> memref<1000000xf32, #tpu.memory_space<hbm>>
    tpu.enqueue_indirect_dma source(%dma_start3A_248 : memref<1000000xf32, #tpu.memory_space<hbm>>) target(%dma_start3A_243 : memref<128xf32, #tpu.memory_space<vmem>>) offsets(%dma_start3A_246 : memref<128xi32, #tpu.memory_space<vmem>>) semaphore(%arg8 : memref<!tpu.dma_semaphore, #tpu.memory_space<semaphore_mem>>)
    %dma_wait3A_249 = arith.constant 4 : i32
    %dma_wait3A_250 = arith.constant 4 : i32
    %dma_wait3A_251 = arith.constant 0 : i32
    %dma_wait3A_252 = tpu.memref_slice %arg5[%dma_wait3A_249, %dma_wait3A_251] : memref<8x128xi32, #tpu.memory_space<vmem>> -> memref<1x128xi32, #tpu.memory_space<vmem>>
    %dma_wait3A_253 = tpu.memref_squeeze %dma_wait3A_252 : memref<1x128xi32, #tpu.memory_space<vmem>> -> memref<128xi32, #tpu.memory_space<vmem>>
    %dma_wait3A_254 = arith.constant 0 : i32
    %dma_wait3A_255 = tpu.memref_slice %arg3[%add3A_75, %dma_wait3A_254] : memref<128x128xi32, #tpu.memory_space<hbm>> -> memref<1x128xi32, #tpu.memory_space<hbm>>
    %dma_wait3A_256 = tpu.memref_squeeze %dma_wait3A_255 : memref<1x128xi32, #tpu.memory_space<hbm>> -> memref<128xi32, #tpu.memory_space<hbm>>
    %dma_wait3A_257 = tpu.memref_slice %arg7[%dma_wait3A_250] : memref<8x!tpu.dma_semaphore, #tpu.memory_space<semaphore_mem>> -> memref<1x!tpu.dma_semaphore, #tpu.memory_space<semaphore_mem>>
    %dma_wait3A_258 = tpu.memref_squeeze %dma_wait3A_257 : memref<1x!tpu.dma_semaphore, #tpu.memory_space<semaphore_mem>> -> memref<!tpu.dma_semaphore, #tpu.memory_space<semaphore_mem>>
    %dma_wait3A_259 = arith.constant 0 : i32
    %dma_wait3A_260 = tpu.memref_slice %arg5[%dma_wait3A_249, %dma_wait3A_259] : memref<8x128xi32, #tpu.memory_space<vmem>> -> memref<1x128xi32, #tpu.memory_space<vmem>>
    %dma_wait3A_261 = tpu.memref_squeeze %dma_wait3A_260 : memref<1x128xi32, #tpu.memory_space<vmem>> -> memref<128xi32, #tpu.memory_space<vmem>>
    %dma_wait3A_262 = arith.constant 0 : i32
    %dma_wait3A_263 = tpu.memref_slice %arg3[%add3A_75, %dma_wait3A_262] : memref<128x128xi32, #tpu.memory_space<hbm>> -> memref<1x128xi32, #tpu.memory_space<hbm>>
    %dma_wait3A_264 = tpu.memref_squeeze %dma_wait3A_263 : memref<1x128xi32, #tpu.memory_space<hbm>> -> memref<128xi32, #tpu.memory_space<hbm>>
    tpu.wait_dma2 semaphore(%dma_wait3A_258 : memref<!tpu.dma_semaphore, #tpu.memory_space<semaphore_mem>>) src(%dma_wait3A_264 : memref<128xi32, #tpu.memory_space<hbm>>) dst(%dma_wait3A_261 : memref<128xi32, #tpu.memory_space<vmem>>)
    %dma_start3A_265 = arith.constant 4 : i32
    %dma_start3A_266 = arith.constant 4 : i32
    %dma_start3A_267 = arith.constant 0 : i32
    %dma_start3A_268 = tpu.memref_slice %arg6[%dma_start3A_266, %dma_start3A_267] : memref<8x128xf32, #tpu.memory_space<vmem>> -> memref<1x128xf32, #tpu.memory_space<vmem>>
    %dma_start3A_269 = tpu.memref_squeeze %dma_start3A_268 : memref<1x128xf32, #tpu.memory_space<vmem>> -> memref<128xf32, #tpu.memory_space<vmem>>
    %dma_start3A_270 = arith.constant 0 : i32
    %dma_start3A_271 = tpu.memref_slice %arg5[%dma_start3A_265, %dma_start3A_270] : memref<8x128xi32, #tpu.memory_space<vmem>> -> memref<1x128xi32, #tpu.memory_space<vmem>>
    %dma_start3A_272 = tpu.memref_squeeze %dma_start3A_271 : memref<1x128xi32, #tpu.memory_space<vmem>> -> memref<128xi32, #tpu.memory_space<vmem>>
    %dma_start3A_273 = arith.constant 0 : i32
    %dma_start3A_274 = tpu.memref_slice %arg2[%dma_start3A_273] : memref<1000000xf32, #tpu.memory_space<hbm>> -> memref<1000000xf32, #tpu.memory_space<hbm>>
    tpu.enqueue_indirect_dma source(%dma_start3A_274 : memref<1000000xf32, #tpu.memory_space<hbm>>) target(%dma_start3A_269 : memref<128xf32, #tpu.memory_space<vmem>>) offsets(%dma_start3A_272 : memref<128xi32, #tpu.memory_space<vmem>>) semaphore(%arg8 : memref<!tpu.dma_semaphore, #tpu.memory_space<semaphore_mem>>)
    %dma_wait3A_275 = arith.constant 5 : i32
    %dma_wait3A_276 = arith.constant 5 : i32
    %dma_wait3A_277 = arith.constant 0 : i32
    %dma_wait3A_278 = tpu.memref_slice %arg5[%dma_wait3A_275, %dma_wait3A_277] : memref<8x128xi32, #tpu.memory_space<vmem>> -> memref<1x128xi32, #tpu.memory_space<vmem>>
    %dma_wait3A_279 = tpu.memref_squeeze %dma_wait3A_278 : memref<1x128xi32, #tpu.memory_space<vmem>> -> memref<128xi32, #tpu.memory_space<vmem>>
    %dma_wait3A_280 = arith.constant 0 : i32
    %dma_wait3A_281 = tpu.memref_slice %arg3[%add3A_93, %dma_wait3A_280] : memref<128x128xi32, #tpu.memory_space<hbm>> -> memref<1x128xi32, #tpu.memory_space<hbm>>
    %dma_wait3A_282 = tpu.memref_squeeze %dma_wait3A_281 : memref<1x128xi32, #tpu.memory_space<hbm>> -> memref<128xi32, #tpu.memory_space<hbm>>
    %dma_wait3A_283 = tpu.memref_slice %arg7[%dma_wait3A_276] : memref<8x!tpu.dma_semaphore, #tpu.memory_space<semaphore_mem>> -> memref<1x!tpu.dma_semaphore, #tpu.memory_space<semaphore_mem>>
    %dma_wait3A_284 = tpu.memref_squeeze %dma_wait3A_283 : memref<1x!tpu.dma_semaphore, #tpu.memory_space<semaphore_mem>> -> memref<!tpu.dma_semaphore, #tpu.memory_space<semaphore_mem>>
    %dma_wait3A_285 = arith.constant 0 : i32
    %dma_wait3A_286 = tpu.memref_slice %arg5[%dma_wait3A_275, %dma_wait3A_285] : memref<8x128xi32, #tpu.memory_space<vmem>> -> memref<1x128xi32, #tpu.memory_space<vmem>>
    %dma_wait3A_287 = tpu.memref_squeeze %dma_wait3A_286 : memref<1x128xi32, #tpu.memory_space<vmem>> -> memref<128xi32, #tpu.memory_space<vmem>>
    %dma_wait3A_288 = arith.constant 0 : i32
    %dma_wait3A_289 = tpu.memref_slice %arg3[%add3A_93, %dma_wait3A_288] : memref<128x128xi32, #tpu.memory_space<hbm>> -> memref<1x128xi32, #tpu.memory_space<hbm>>
    %dma_wait3A_290 = tpu.memref_squeeze %dma_wait3A_289 : memref<1x128xi32, #tpu.memory_space<hbm>> -> memref<128xi32, #tpu.memory_space<hbm>>
    tpu.wait_dma2 semaphore(%dma_wait3A_284 : memref<!tpu.dma_semaphore, #tpu.memory_space<semaphore_mem>>) src(%dma_wait3A_290 : memref<128xi32, #tpu.memory_space<hbm>>) dst(%dma_wait3A_287 : memref<128xi32, #tpu.memory_space<vmem>>)
    %dma_start3A_291 = arith.constant 5 : i32
    %dma_start3A_292 = arith.constant 5 : i32
    %dma_start3A_293 = arith.constant 0 : i32
    %dma_start3A_294 = tpu.memref_slice %arg6[%dma_start3A_292, %dma_start3A_293] : memref<8x128xf32, #tpu.memory_space<vmem>> -> memref<1x128xf32, #tpu.memory_space<vmem>>
    %dma_start3A_295 = tpu.memref_squeeze %dma_start3A_294 : memref<1x128xf32, #tpu.memory_space<vmem>> -> memref<128xf32, #tpu.memory_space<vmem>>
    %dma_start3A_296 = arith.constant 0 : i32
    %dma_start3A_297 = tpu.memref_slice %arg5[%dma_start3A_291, %dma_start3A_296] : memref<8x128xi32, #tpu.memory_space<vmem>> -> memref<1x128xi32, #tpu.memory_space<vmem>>
    %dma_start3A_298 = tpu.memref_squeeze %dma_start3A_297 : memref<1x128xi32, #tpu.memory_space<vmem>> -> memref<128xi32, #tpu.memory_space<vmem>>
    %dma_start3A_299 = arith.constant 0 : i32
    %dma_start3A_300 = tpu.memref_slice %arg2[%dma_start3A_299] : memref<1000000xf32, #tpu.memory_space<hbm>> -> memref<1000000xf32, #tpu.memory_space<hbm>>
    tpu.enqueue_indirect_dma source(%dma_start3A_300 : memref<1000000xf32, #tpu.memory_space<hbm>>) target(%dma_start3A_295 : memref<128xf32, #tpu.memory_space<vmem>>) offsets(%dma_start3A_298 : memref<128xi32, #tpu.memory_space<vmem>>) semaphore(%arg8 : memref<!tpu.dma_semaphore, #tpu.memory_space<semaphore_mem>>)
    %dma_wait3A_301 = arith.constant 6 : i32
    %dma_wait3A_302 = arith.constant 6 : i32
    %dma_wait3A_303 = arith.constant 0 : i32
    %dma_wait3A_304 = tpu.memref_slice %arg5[%dma_wait3A_301, %dma_wait3A_303] : memref<8x128xi32, #tpu.memory_space<vmem>> -> memref<1x128xi32, #tpu.memory_space<vmem>>
    %dma_wait3A_305 = tpu.memref_squeeze %dma_wait3A_304 : memref<1x128xi32, #tpu.memory_space<vmem>> -> memref<128xi32, #tpu.memory_space<vmem>>
    %dma_wait3A_306 = arith.constant 0 : i32
    %dma_wait3A_307 = tpu.memref_slice %arg3[%add3A_111, %dma_wait3A_306] : memref<128x128xi32, #tpu.memory_space<hbm>> -> memref<1x128xi32, #tpu.memory_space<hbm>>
    %dma_wait3A_308 = tpu.memref_squeeze %dma_wait3A_307 : memref<1x128xi32, #tpu.memory_space<hbm>> -> memref<128xi32, #tpu.memory_space<hbm>>
    %dma_wait3A_309 = tpu.memref_slice %arg7[%dma_wait3A_302] : memref<8x!tpu.dma_semaphore, #tpu.memory_space<semaphore_mem>> -> memref<1x!tpu.dma_semaphore, #tpu.memory_space<semaphore_mem>>
    %dma_wait3A_310 = tpu.memref_squeeze %dma_wait3A_309 : memref<1x!tpu.dma_semaphore, #tpu.memory_space<semaphore_mem>> -> memref<!tpu.dma_semaphore, #tpu.memory_space<semaphore_mem>>
    %dma_wait3A_311 = arith.constant 0 : i32
    %dma_wait3A_312 = tpu.memref_slice %arg5[%dma_wait3A_301, %dma_wait3A_311] : memref<8x128xi32, #tpu.memory_space<vmem>> -> memref<1x128xi32, #tpu.memory_space<vmem>>
    %dma_wait3A_313 = tpu.memref_squeeze %dma_wait3A_312 : memref<1x128xi32, #tpu.memory_space<vmem>> -> memref<128xi32, #tpu.memory_space<vmem>>
    %dma_wait3A_314 = arith.constant 0 : i32
    %dma_wait3A_315 = tpu.memref_slice %arg3[%add3A_111, %dma_wait3A_314] : memref<128x128xi32, #tpu.memory_space<hbm>> -> memref<1x128xi32, #tpu.memory_space<hbm>>
    %dma_wait3A_316 = tpu.memref_squeeze %dma_wait3A_315 : memref<1x128xi32, #tpu.memory_space<hbm>> -> memref<128xi32, #tpu.memory_space<hbm>>
    tpu.wait_dma2 semaphore(%dma_wait3A_310 : memref<!tpu.dma_semaphore, #tpu.memory_space<semaphore_mem>>) src(%dma_wait3A_316 : memref<128xi32, #tpu.memory_space<hbm>>) dst(%dma_wait3A_313 : memref<128xi32, #tpu.memory_space<vmem>>)
    %dma_start3A_317 = arith.constant 6 : i32
    %dma_start3A_318 = arith.constant 6 : i32
    %dma_start3A_319 = arith.constant 0 : i32
    %dma_start3A_320 = tpu.memref_slice %arg6[%dma_start3A_318, %dma_start3A_319] : memref<8x128xf32, #tpu.memory_space<vmem>> -> memref<1x128xf32, #tpu.memory_space<vmem>>
    %dma_start3A_321 = tpu.memref_squeeze %dma_start3A_320 : memref<1x128xf32, #tpu.memory_space<vmem>> -> memref<128xf32, #tpu.memory_space<vmem>>
    %dma_start3A_322 = arith.constant 0 : i32
    %dma_start3A_323 = tpu.memref_slice %arg5[%dma_start3A_317, %dma_start3A_322] : memref<8x128xi32, #tpu.memory_space<vmem>> -> memref<1x128xi32, #tpu.memory_space<vmem>>
    %dma_start3A_324 = tpu.memref_squeeze %dma_start3A_323 : memref<1x128xi32, #tpu.memory_space<vmem>> -> memref<128xi32, #tpu.memory_space<vmem>>
    %dma_start3A_325 = arith.constant 0 : i32
    %dma_start3A_326 = tpu.memref_slice %arg2[%dma_start3A_325] : memref<1000000xf32, #tpu.memory_space<hbm>> -> memref<1000000xf32, #tpu.memory_space<hbm>>
    tpu.enqueue_indirect_dma source(%dma_start3A_326 : memref<1000000xf32, #tpu.memory_space<hbm>>) target(%dma_start3A_321 : memref<128xf32, #tpu.memory_space<vmem>>) offsets(%dma_start3A_324 : memref<128xi32, #tpu.memory_space<vmem>>) semaphore(%arg8 : memref<!tpu.dma_semaphore, #tpu.memory_space<semaphore_mem>>)
    %dma_wait3A_327 = arith.constant 7 : i32
    %dma_wait3A_328 = arith.constant 7 : i32
    %dma_wait3A_329 = arith.constant 0 : i32
    %dma_wait3A_330 = tpu.memref_slice %arg5[%dma_wait3A_327, %dma_wait3A_329] : memref<8x128xi32, #tpu.memory_space<vmem>> -> memref<1x128xi32, #tpu.memory_space<vmem>>
    %dma_wait3A_331 = tpu.memref_squeeze %dma_wait3A_330 : memref<1x128xi32, #tpu.memory_space<vmem>> -> memref<128xi32, #tpu.memory_space<vmem>>
    %dma_wait3A_332 = arith.constant 0 : i32
    %dma_wait3A_333 = tpu.memref_slice %arg3[%add3A_129, %dma_wait3A_332] : memref<128x128xi32, #tpu.memory_space<hbm>> -> memref<1x128xi32, #tpu.memory_space<hbm>>
    %dma_wait3A_334 = tpu.memref_squeeze %dma_wait3A_333 : memref<1x128xi32, #tpu.memory_space<hbm>> -> memref<128xi32, #tpu.memory_space<hbm>>
    %dma_wait3A_335 = tpu.memref_slice %arg7[%dma_wait3A_328] : memref<8x!tpu.dma_semaphore, #tpu.memory_space<semaphore_mem>> -> memref<1x!tpu.dma_semaphore, #tpu.memory_space<semaphore_mem>>
    %dma_wait3A_336 = tpu.memref_squeeze %dma_wait3A_335 : memref<1x!tpu.dma_semaphore, #tpu.memory_space<semaphore_mem>> -> memref<!tpu.dma_semaphore, #tpu.memory_space<semaphore_mem>>
    %dma_wait3A_337 = arith.constant 0 : i32
    %dma_wait3A_338 = tpu.memref_slice %arg5[%dma_wait3A_327, %dma_wait3A_337] : memref<8x128xi32, #tpu.memory_space<vmem>> -> memref<1x128xi32, #tpu.memory_space<vmem>>
    %dma_wait3A_339 = tpu.memref_squeeze %dma_wait3A_338 : memref<1x128xi32, #tpu.memory_space<vmem>> -> memref<128xi32, #tpu.memory_space<vmem>>
    %dma_wait3A_340 = arith.constant 0 : i32
    %dma_wait3A_341 = tpu.memref_slice %arg3[%add3A_129, %dma_wait3A_340] : memref<128x128xi32, #tpu.memory_space<hbm>> -> memref<1x128xi32, #tpu.memory_space<hbm>>
    %dma_wait3A_342 = tpu.memref_squeeze %dma_wait3A_341 : memref<1x128xi32, #tpu.memory_space<hbm>> -> memref<128xi32, #tpu.memory_space<hbm>>
    tpu.wait_dma2 semaphore(%dma_wait3A_336 : memref<!tpu.dma_semaphore, #tpu.memory_space<semaphore_mem>>) src(%dma_wait3A_342 : memref<128xi32, #tpu.memory_space<hbm>>) dst(%dma_wait3A_339 : memref<128xi32, #tpu.memory_space<vmem>>)
    %dma_start3A_343 = arith.constant 7 : i32
    %dma_start3A_344 = arith.constant 7 : i32
    %dma_start3A_345 = arith.constant 0 : i32
    %dma_start3A_346 = tpu.memref_slice %arg6[%dma_start3A_344, %dma_start3A_345] : memref<8x128xf32, #tpu.memory_space<vmem>> -> memref<1x128xf32, #tpu.memory_space<vmem>>
    %dma_start3A_347 = tpu.memref_squeeze %dma_start3A_346 : memref<1x128xf32, #tpu.memory_space<vmem>> -> memref<128xf32, #tpu.memory_space<vmem>>
    %dma_start3A_348 = arith.constant 0 : i32
    %dma_start3A_349 = tpu.memref_slice %arg5[%dma_start3A_343, %dma_start3A_348] : memref<8x128xi32, #tpu.memory_space<vmem>> -> memref<1x128xi32, #tpu.memory_space<vmem>>
    %dma_start3A_350 = tpu.memref_squeeze %dma_start3A_349 : memref<1x128xi32, #tpu.memory_space<vmem>> -> memref<128xi32, #tpu.memory_space<vmem>>
    %dma_start3A_351 = arith.constant 0 : i32
    %dma_start3A_352 = tpu.memref_slice %arg2[%dma_start3A_351] : memref<1000000xf32, #tpu.memory_space<hbm>> -> memref<1000000xf32, #tpu.memory_space<hbm>>
    tpu.enqueue_indirect_dma source(%dma_start3A_352 : memref<1000000xf32, #tpu.memory_space<hbm>>) target(%dma_start3A_347 : memref<128xf32, #tpu.memory_space<vmem>>) offsets(%dma_start3A_350 : memref<128xi32, #tpu.memory_space<vmem>>) semaphore(%arg8 : memref<!tpu.dma_semaphore, #tpu.memory_space<semaphore_mem>>)
    %dma_wait3A_353 = arith.constant 0 : i32
    %dma_wait3A_354 = arith.constant 0 : i32
    %dma_wait3A_355 = arith.constant 0 : i32
    %dma_wait3A_356 = tpu.memref_slice %arg6[%dma_wait3A_354, %dma_wait3A_355] : memref<8x128xf32, #tpu.memory_space<vmem>> -> memref<1x128xf32, #tpu.memory_space<vmem>>
    %dma_wait3A_357 = tpu.memref_squeeze %dma_wait3A_356 : memref<1x128xf32, #tpu.memory_space<vmem>> -> memref<128xf32, #tpu.memory_space<vmem>>
    %dma_wait3A_358 = arith.constant 0 : i32
    %dma_wait3A_359 = tpu.memref_slice %arg5[%dma_wait3A_353, %dma_wait3A_358] : memref<8x128xi32, #tpu.memory_space<vmem>> -> memref<1x128xi32, #tpu.memory_space<vmem>>
    %dma_wait3A_360 = tpu.memref_squeeze %dma_wait3A_359 : memref<1x128xi32, #tpu.memory_space<vmem>> -> memref<128xi32, #tpu.memory_space<vmem>>
    %dma_wait3A_361 = arith.constant 0 : i32
    %dma_wait3A_362 = tpu.memref_slice %arg2[%dma_wait3A_361] : memref<1000000xf32, #tpu.memory_space<hbm>> -> memref<1000000xf32, #tpu.memory_space<hbm>>
    tpu.wait_indirect_dma semaphore(%arg8 : memref<!tpu.dma_semaphore, #tpu.memory_space<semaphore_mem>>) src(%dma_wait3A_362 : memref<1000000xf32, #tpu.memory_space<hbm>>) dst(%dma_wait3A_357 : memref<128xf32, #tpu.memory_space<vmem>>)
    %dma_wait3A_363 = arith.constant 1 : i32
    %dma_wait3A_364 = arith.constant 1 : i32
    %dma_wait3A_365 = arith.constant 0 : i32
    %dma_wait3A_366 = tpu.memref_slice %arg6[%dma_wait3A_364, %dma_wait3A_365] : memref<8x128xf32, #tpu.memory_space<vmem>> -> memref<1x128xf32, #tpu.memory_space<vmem>>
    %dma_wait3A_367 = tpu.memref_squeeze %dma_wait3A_366 : memref<1x128xf32, #tpu.memory_space<vmem>> -> memref<128xf32, #tpu.memory_space<vmem>>
    %dma_wait3A_368 = arith.constant 0 : i32
    %dma_wait3A_369 = tpu.memref_slice %arg5[%dma_wait3A_363, %dma_wait3A_368] : memref<8x128xi32, #tpu.memory_space<vmem>> -> memref<1x128xi32, #tpu.memory_space<vmem>>
    %dma_wait3A_370 = tpu.memref_squeeze %dma_wait3A_369 : memref<1x128xi32, #tpu.memory_space<vmem>> -> memref<128xi32, #tpu.memory_space<vmem>>
    %dma_wait3A_371 = arith.constant 0 : i32
    %dma_wait3A_372 = tpu.memref_slice %arg2[%dma_wait3A_371] : memref<1000000xf32, #tpu.memory_space<hbm>> -> memref<1000000xf32, #tpu.memory_space<hbm>>
    tpu.wait_indirect_dma semaphore(%arg8 : memref<!tpu.dma_semaphore, #tpu.memory_space<semaphore_mem>>) src(%dma_wait3A_372 : memref<1000000xf32, #tpu.memory_space<hbm>>) dst(%dma_wait3A_367 : memref<128xf32, #tpu.memory_space<vmem>>)
    %dma_wait3A_373 = arith.constant 2 : i32
    %dma_wait3A_374 = arith.constant 2 : i32
    %dma_wait3A_375 = arith.constant 0 : i32
    %dma_wait3A_376 = tpu.memref_slice %arg6[%dma_wait3A_374, %dma_wait3A_375] : memref<8x128xf32, #tpu.memory_space<vmem>> -> memref<1x128xf32, #tpu.memory_space<vmem>>
    %dma_wait3A_377 = tpu.memref_squeeze %dma_wait3A_376 : memref<1x128xf32, #tpu.memory_space<vmem>> -> memref<128xf32, #tpu.memory_space<vmem>>
    %dma_wait3A_378 = arith.constant 0 : i32
    %dma_wait3A_379 = tpu.memref_slice %arg5[%dma_wait3A_373, %dma_wait3A_378] : memref<8x128xi32, #tpu.memory_space<vmem>> -> memref<1x128xi32, #tpu.memory_space<vmem>>
    %dma_wait3A_380 = tpu.memref_squeeze %dma_wait3A_379 : memref<1x128xi32, #tpu.memory_space<vmem>> -> memref<128xi32, #tpu.memory_space<vmem>>
    %dma_wait3A_381 = arith.constant 0 : i32
    %dma_wait3A_382 = tpu.memref_slice %arg2[%dma_wait3A_381] : memref<1000000xf32, #tpu.memory_space<hbm>> -> memref<1000000xf32, #tpu.memory_space<hbm>>
    tpu.wait_indirect_dma semaphore(%arg8 : memref<!tpu.dma_semaphore, #tpu.memory_space<semaphore_mem>>) src(%dma_wait3A_382 : memref<1000000xf32, #tpu.memory_space<hbm>>) dst(%dma_wait3A_377 : memref<128xf32, #tpu.memory_space<vmem>>)
    %dma_wait3A_383 = arith.constant 3 : i32
    %dma_wait3A_384 = arith.constant 3 : i32
    %dma_wait3A_385 = arith.constant 0 : i32
    %dma_wait3A_386 = tpu.memref_slice %arg6[%dma_wait3A_384, %dma_wait3A_385] : memref<8x128xf32, #tpu.memory_space<vmem>> -> memref<1x128xf32, #tpu.memory_space<vmem>>
    %dma_wait3A_387 = tpu.memref_squeeze %dma_wait3A_386 : memref<1x128xf32, #tpu.memory_space<vmem>> -> memref<128xf32, #tpu.memory_space<vmem>>
    %dma_wait3A_388 = arith.constant 0 : i32
    %dma_wait3A_389 = tpu.memref_slice %arg5[%dma_wait3A_383, %dma_wait3A_388] : memref<8x128xi32, #tpu.memory_space<vmem>> -> memref<1x128xi32, #tpu.memory_space<vmem>>
    %dma_wait3A_390 = tpu.memref_squeeze %dma_wait3A_389 : memref<1x128xi32, #tpu.memory_space<vmem>> -> memref<128xi32, #tpu.memory_space<vmem>>
    %dma_wait3A_391 = arith.constant 0 : i32
    %dma_wait3A_392 = tpu.memref_slice %arg2[%dma_wait3A_391] : memref<1000000xf32, #tpu.memory_space<hbm>> -> memref<1000000xf32, #tpu.memory_space<hbm>>
    tpu.wait_indirect_dma semaphore(%arg8 : memref<!tpu.dma_semaphore, #tpu.memory_space<semaphore_mem>>) src(%dma_wait3A_392 : memref<1000000xf32, #tpu.memory_space<hbm>>) dst(%dma_wait3A_387 : memref<128xf32, #tpu.memory_space<vmem>>)
    %dma_wait3A_393 = arith.constant 4 : i32
    %dma_wait3A_394 = arith.constant 4 : i32
    %dma_wait3A_395 = arith.constant 0 : i32
    %dma_wait3A_396 = tpu.memref_slice %arg6[%dma_wait3A_394, %dma_wait3A_395] : memref<8x128xf32, #tpu.memory_space<vmem>> -> memref<1x128xf32, #tpu.memory_space<vmem>>
    %dma_wait3A_397 = tpu.memref_squeeze %dma_wait3A_396 : memref<1x128xf32, #tpu.memory_space<vmem>> -> memref<128xf32, #tpu.memory_space<vmem>>
    %dma_wait3A_398 = arith.constant 0 : i32
    %dma_wait3A_399 = tpu.memref_slice %arg5[%dma_wait3A_393, %dma_wait3A_398] : memref<8x128xi32, #tpu.memory_space<vmem>> -> memref<1x128xi32, #tpu.memory_space<vmem>>
    %dma_wait3A_400 = tpu.memref_squeeze %dma_wait3A_399 : memref<1x128xi32, #tpu.memory_space<vmem>> -> memref<128xi32, #tpu.memory_space<vmem>>
    %dma_wait3A_401 = arith.constant 0 : i32
    %dma_wait3A_402 = tpu.memref_slice %arg2[%dma_wait3A_401] : memref<1000000xf32, #tpu.memory_space<hbm>> -> memref<1000000xf32, #tpu.memory_space<hbm>>
    tpu.wait_indirect_dma semaphore(%arg8 : memref<!tpu.dma_semaphore, #tpu.memory_space<semaphore_mem>>) src(%dma_wait3A_402 : memref<1000000xf32, #tpu.memory_space<hbm>>) dst(%dma_wait3A_397 : memref<128xf32, #tpu.memory_space<vmem>>)
    %dma_wait3A_403 = arith.constant 5 : i32
    %dma_wait3A_404 = arith.constant 5 : i32
    %dma_wait3A_405 = arith.constant 0 : i32
    %dma_wait3A_406 = tpu.memref_slice %arg6[%dma_wait3A_404, %dma_wait3A_405] : memref<8x128xf32, #tpu.memory_space<vmem>> -> memref<1x128xf32, #tpu.memory_space<vmem>>
    %dma_wait3A_407 = tpu.memref_squeeze %dma_wait3A_406 : memref<1x128xf32, #tpu.memory_space<vmem>> -> memref<128xf32, #tpu.memory_space<vmem>>
    %dma_wait3A_408 = arith.constant 0 : i32
    %dma_wait3A_409 = tpu.memref_slice %arg5[%dma_wait3A_403, %dma_wait3A_408] : memref<8x128xi32, #tpu.memory_space<vmem>> -> memref<1x128xi32, #tpu.memory_space<vmem>>
    %dma_wait3A_410 = tpu.memref_squeeze %dma_wait3A_409 : memref<1x128xi32, #tpu.memory_space<vmem>> -> memref<128xi32, #tpu.memory_space<vmem>>
    %dma_wait3A_411 = arith.constant 0 : i32
    %dma_wait3A_412 = tpu.memref_slice %arg2[%dma_wait3A_411] : memref<1000000xf32, #tpu.memory_space<hbm>> -> memref<1000000xf32, #tpu.memory_space<hbm>>
    tpu.wait_indirect_dma semaphore(%arg8 : memref<!tpu.dma_semaphore, #tpu.memory_space<semaphore_mem>>) src(%dma_wait3A_412 : memref<1000000xf32, #tpu.memory_space<hbm>>) dst(%dma_wait3A_407 : memref<128xf32, #tpu.memory_space<vmem>>)
    %dma_wait3A_413 = arith.constant 6 : i32
    %dma_wait3A_414 = arith.constant 6 : i32
    %dma_wait3A_415 = arith.constant 0 : i32
    %dma_wait3A_416 = tpu.memref_slice %arg6[%dma_wait3A_414, %dma_wait3A_415] : memref<8x128xf32, #tpu.memory_space<vmem>> -> memref<1x128xf32, #tpu.memory_space<vmem>>
    %dma_wait3A_417 = tpu.memref_squeeze %dma_wait3A_416 : memref<1x128xf32, #tpu.memory_space<vmem>> -> memref<128xf32, #tpu.memory_space<vmem>>
    %dma_wait3A_418 = arith.constant 0 : i32
    %dma_wait3A_419 = tpu.memref_slice %arg5[%dma_wait3A_413, %dma_wait3A_418] : memref<8x128xi32, #tpu.memory_space<vmem>> -> memref<1x128xi32, #tpu.memory_space<vmem>>
    %dma_wait3A_420 = tpu.memref_squeeze %dma_wait3A_419 : memref<1x128xi32, #tpu.memory_space<vmem>> -> memref<128xi32, #tpu.memory_space<vmem>>
    %dma_wait3A_421 = arith.constant 0 : i32
    %dma_wait3A_422 = tpu.memref_slice %arg2[%dma_wait3A_421] : memref<1000000xf32, #tpu.memory_space<hbm>> -> memref<1000000xf32, #tpu.memory_space<hbm>>
    tpu.wait_indirect_dma semaphore(%arg8 : memref<!tpu.dma_semaphore, #tpu.memory_space<semaphore_mem>>) src(%dma_wait3A_422 : memref<1000000xf32, #tpu.memory_space<hbm>>) dst(%dma_wait3A_417 : memref<128xf32, #tpu.memory_space<vmem>>)
    %dma_wait3A_423 = arith.constant 7 : i32
    %dma_wait3A_424 = arith.constant 7 : i32
    %dma_wait3A_425 = arith.constant 0 : i32
    %dma_wait3A_426 = tpu.memref_slice %arg6[%dma_wait3A_424, %dma_wait3A_425] : memref<8x128xf32, #tpu.memory_space<vmem>> -> memref<1x128xf32, #tpu.memory_space<vmem>>
    %dma_wait3A_427 = tpu.memref_squeeze %dma_wait3A_426 : memref<1x128xf32, #tpu.memory_space<vmem>> -> memref<128xf32, #tpu.memory_space<vmem>>
    %dma_wait3A_428 = arith.constant 0 : i32
    %dma_wait3A_429 = tpu.memref_slice %arg5[%dma_wait3A_423, %dma_wait3A_428] : memref<8x128xi32, #tpu.memory_space<vmem>> -> memref<1x128xi32, #tpu.memory_space<vmem>>
    %dma_wait3A_430 = tpu.memref_squeeze %dma_wait3A_429 : memref<1x128xi32, #tpu.memory_space<vmem>> -> memref<128xi32, #tpu.memory_space<vmem>>
    %dma_wait3A_431 = arith.constant 0 : i32
    %dma_wait3A_432 = tpu.memref_slice %arg2[%dma_wait3A_431] : memref<1000000xf32, #tpu.memory_space<hbm>> -> memref<1000000xf32, #tpu.memory_space<hbm>>
    tpu.wait_indirect_dma semaphore(%arg8 : memref<!tpu.dma_semaphore, #tpu.memory_space<semaphore_mem>>) src(%dma_wait3A_432 : memref<1000000xf32, #tpu.memory_space<hbm>>) dst(%dma_wait3A_427 : memref<128xf32, #tpu.memory_space<vmem>>)
    "tpu.region"() ({
      %run_scoped3A = tpu.sem_alloc : memref<!tpu.dma_semaphore, #tpu.memory_space<semaphore_mem>>
      %dma_start3A_433 = arith.constant 0 : i32
      %dma_start3A_434 = tpu.memref_slice %arg4[%mul3A_2, %dma_start3A_433] : memref<128x128xf32, #tpu.memory_space<hbm>> -> memref<8x128xf32, #tpu.memory_space<hbm>>
      %dma_start3A_435 = arith.constant 0 : i32
      %dma_start3A_436 = tpu.memref_slice %arg4[%mul3A_2, %dma_start3A_435] : memref<128x128xf32, #tpu.memory_space<hbm>> -> memref<8x128xf32, #tpu.memory_space<hbm>>
      tpu.enqueue_dma source(%arg6 : memref<8x128xf32, #tpu.memory_space<vmem>>) target(%dma_start3A_436 : memref<8x128xf32, #tpu.memory_space<hbm>>) target_semaphore(%run_scoped3A : memref<!tpu.dma_semaphore, #tpu.memory_space<semaphore_mem>>)
      %dma_wait3A_437 = arith.constant 0 : i32
      %dma_wait3A_438 = tpu.memref_slice %arg4[%mul3A_2, %dma_wait3A_437] : memref<128x128xf32, #tpu.memory_space<hbm>> -> memref<8x128xf32, #tpu.memory_space<hbm>>
      %dma_wait3A_439 = arith.constant 0 : i32
      %dma_wait3A_440 = tpu.memref_slice %arg4[%mul3A_2, %dma_wait3A_439] : memref<128x128xf32, #tpu.memory_space<hbm>> -> memref<8x128xf32, #tpu.memory_space<hbm>>
      tpu.wait_dma2 semaphore(%run_scoped3A : memref<!tpu.dma_semaphore, #tpu.memory_space<semaphore_mem>>) src(%arg6 : memref<8x128xf32, #tpu.memory_space<vmem>>) dst(%dma_wait3A_440 : memref<8x128xf32, #tpu.memory_space<hbm>>)
      tpu.yield
    }) : () -> ()
    return
  }
}

module attributes {stable_mosaic.version = 14 : i64} {
  func.func @_apply_body(%arg0: memref<128x128xf32, #tpu.memory_space<vmem>>, %arg1: memref<8x128xf32, #tpu.memory_space<vmem>>, %arg2: memref<128x128xf32, #tpu.memory_space<vmem>>) attributes {dimension_semantics = [], scalar_prefetch = 0 : i64, scratch_operands = 0 : i64, tpu.core_type = #tpu.core_type<tc>} {
    %get3A = arith.constant 0 : index
    %get3A_0 = arith.constant 0 : index
    %get3A_1 = vector.load %arg1[%get3A, %get3A_0] : memref<8x128xf32, #tpu.memory_space<vmem>>, vector<8x128xf32>
    %slice3A = vector.extract_strided_slice %get3A_1 {offsets = [0, 0], sizes = [1, 1], strides = [1, 1]} : vector<8x128xf32> to vector<1x1xf32>
    %squeeze3A = vector.extract %slice3A[0, 0] : f32 from vector<1x1xf32>
    %slice3A_2 = vector.extract_strided_slice %get3A_1 {offsets = [1, 0], sizes = [1, 1], strides = [1, 1]} : vector<8x128xf32> to vector<1x1xf32>
    %squeeze3A_3 = vector.extract %slice3A_2[0, 0] : f32 from vector<1x1xf32>
    %get3A_4 = arith.constant 0 : index
    %get3A_5 = arith.constant 0 : index
    %get3A_6 = vector.load %arg0[%get3A_4, %get3A_5] : memref<128x128xf32, #tpu.memory_space<vmem>>, vector<128x128xf32>
    %sub3A = vector.broadcast %squeeze3A : f32 to vector<128x128xf32>
    %sub3A_7 = arith.subf %get3A_6, %sub3A : vector<128x128xf32>
    %exp3A = math.exp %sub3A_7 : vector<128x128xf32>
    %mul3A = vector.broadcast %squeeze3A_3 : f32 to vector<128x128xf32>
    %mul3A_8 = arith.mulf %exp3A, %mul3A : vector<128x128xf32>
    %add3A = arith.constant 9.99999996E-13 : f32
    %add3A_9 = vector.broadcast %add3A : f32 to vector<128x128xf32>
    %add3A_10 = arith.addf %mul3A_8, %add3A_9 : vector<128x128xf32>
    %swap3A = arith.constant 0 : index
    %swap3A_11 = arith.constant 0 : index
    %swap3A_12 = vector.load %arg2[%swap3A, %swap3A_11] : memref<128x128xf32, #tpu.memory_space<vmem>>, vector<128x128xf32>
    tpu.vector_store %arg2[%swap3A, %swap3A_11], %add3A_10 {strides = array<i32>} : memref<128x128xf32, #tpu.memory_space<vmem>>, vector<128x128xf32>,
    return
  }
}

module attributes {stable_mosaic.version = 14 : i64} {
  func.func @_stats_body(%arg0: memref<7936x128xf32, #tpu.memory_space<vmem>>, %arg1: memref<8x128xf32, #tpu.memory_space<vmem>>) attributes {dimension_semantics = [], scalar_prefetch = 0 : i64, scratch_operands = 0 : i64, tpu.core_type = #tpu.core_type<tc>} {
    %get3A = arith.constant 0 : index
    %get3A_0 = arith.constant 0 : index
    %get3A_1 = vector.load %arg0[%get3A, %get3A_0] : memref<7936x128xf32, #tpu.memory_space<vmem>>, vector<496x128xf32>
    %reduce_max3A = arith.constant dense<0xFF800000> : vector<128xf32>
    %reduce_max3A_2 = vector.multi_reduction <maximumf>, %get3A_1, %reduce_max3A [0] : vector<496x128xf32> to vector<128xf32>
    %broadcast_in_dim3A = vector.shape_cast %reduce_max3A_2 : vector<128xf32> to vector<1x128xf32>
    %sub3A = vector.broadcast %broadcast_in_dim3A : vector<1x128xf32> to vector<496x128xf32>
    %sub3A_3 = arith.subf %get3A_1, %sub3A : vector<496x128xf32>
    %exp3A = math.exp %sub3A_3 : vector<496x128xf32>
    %reduce_sum3A = arith.constant dense<0.000000e+00> : vector<128xf32>
    %reduce_sum3A_4 = vector.multi_reduction <add>, %exp3A, %reduce_sum3A [0] : vector<496x128xf32> to vector<128xf32>
    %broadcast_in_dim3A_5 = vector.shape_cast %reduce_sum3A_4 : vector<128xf32> to vector<1x128xf32>
    %get3A_6 = arith.constant 496 : index
    %get3A_7 = arith.constant 0 : index
    %get3A_8 = vector.load %arg0[%get3A_6, %get3A_7] : memref<7936x128xf32, #tpu.memory_space<vmem>>, vector<496x128xf32>
    %reduce_max3A_9 = arith.constant dense<0xFF800000> : vector<128xf32>
    %reduce_max3A_10 = vector.multi_reduction <maximumf>, %get3A_8, %reduce_max3A_9 [0] : vector<496x128xf32> to vector<128xf32>
    %broadcast_in_dim3A_11 = vector.shape_cast %reduce_max3A_10 : vector<128xf32> to vector<1x128xf32>
    %max3A = arith.maximumf %broadcast_in_dim3A, %broadcast_in_dim3A_11 : vector<1x128xf32>
    %sub3A_12 = arith.subf %broadcast_in_dim3A, %max3A : vector<1x128xf32>
    %exp3A_13 = math.exp %sub3A_12 : vector<1x128xf32>
    %mul3A = arith.mulf %broadcast_in_dim3A_5, %exp3A_13 : vector<1x128xf32>
    %sub3A_14 = vector.broadcast %max3A : vector<1x128xf32> to vector<496x128xf32>
    %sub3A_15 = arith.subf %get3A_8, %sub3A_14 : vector<496x128xf32>
    %exp3A_16 = math.exp %sub3A_15 : vector<496x128xf32>
    %reduce_sum3A_17 = arith.constant dense<0.000000e+00> : vector<128xf32>
    %reduce_sum3A_18 = vector.multi_reduction <add>, %exp3A_16, %reduce_sum3A_17 [0] : vector<496x128xf32> to vector<128xf32>
    %broadcast_in_dim3A_19 = vector.shape_cast %reduce_sum3A_18 : vector<128xf32> to vector<1x128xf32>
    %add3A = arith.addf %mul3A, %broadcast_in_dim3A_19 : vector<1x128xf32>
    %get3A_20 = arith.constant 992 : index
    %get3A_21 = arith.constant 0 : index
    %get3A_22 = vector.load %arg0[%get3A_20, %get3A_21] : memref<7936x128xf32, #tpu.memory_space<vmem>>, vector<496x128xf32>
    %reduce_max3A_23 = arith.constant dense<0xFF800000> : vector<128xf32>
    %reduce_max3A_24 = vector.multi_reduction <maximumf>, %get3A_22, %reduce_max3A_23 [0] : vector<496x128xf32> to vector<128xf32>
    %broadcast_in_dim3A_25 = vector.shape_cast %reduce_max3A_24 : vector<128xf32> to vector<1x128xf32>
    %max3A_26 = arith.maximumf %max3A, %broadcast_in_dim3A_25 : vector<1x128xf32>
    %sub3A_27 = arith.subf %max3A, %max3A_26 : vector<1x128xf32>
    %exp3A_28 = math.exp %sub3A_27 : vector<1x128xf32>
    %mul3A_29 = arith.mulf %add3A, %exp3A_28 : vector<1x128xf32>
    %sub3A_30 = vector.broadcast %max3A_26 : vector<1x128xf32> to vector<496x128xf32>
    %sub3A_31 = arith.subf %get3A_22, %sub3A_30 : vector<496x128xf32>
    %exp3A_32 = math.exp %sub3A_31 : vector<496x128xf32>
    %reduce_sum3A_33 = arith.constant dense<0.000000e+00> : vector<128xf32>
    %reduce_sum3A_34 = vector.multi_reduction <add>, %exp3A_32, %reduce_sum3A_33 [0] : vector<496x128xf32> to vector<128xf32>
    %broadcast_in_dim3A_35 = vector.shape_cast %reduce_sum3A_34 : vector<128xf32> to vector<1x128xf32>
    %add3A_36 = arith.addf %mul3A_29, %broadcast_in_dim3A_35 : vector<1x128xf32>
    %get3A_37 = arith.constant 1488 : index
    %get3A_38 = arith.constant 0 : index
    %get3A_39 = vector.load %arg0[%get3A_37, %get3A_38] : memref<7936x128xf32, #tpu.memory_space<vmem>>, vector<496x128xf32>
    %reduce_max3A_40 = arith.constant dense<0xFF800000> : vector<128xf32>
    %reduce_max3A_41 = vector.multi_reduction <maximumf>, %get3A_39, %reduce_max3A_40 [0] : vector<496x128xf32> to vector<128xf32>
    %broadcast_in_dim3A_42 = vector.shape_cast %reduce_max3A_41 : vector<128xf32> to vector<1x128xf32>
    %max3A_43 = arith.maximumf %max3A_26, %broadcast_in_dim3A_42 : vector<1x128xf32>
    %sub3A_44 = arith.subf %max3A_26, %max3A_43 : vector<1x128xf32>
    %exp3A_45 = math.exp %sub3A_44 : vector<1x128xf32>
    %mul3A_46 = arith.mulf %add3A_36, %exp3A_45 : vector<1x128xf32>
    %sub3A_47 = vector.broadcast %max3A_43 : vector<1x128xf32> to vector<496x128xf32>
    %sub3A_48 = arith.subf %get3A_39, %sub3A_47 : vector<496x128xf32>
    %exp3A_49 = math.exp %sub3A_48 : vector<496x128xf32>
    %reduce_sum3A_50 = arith.constant dense<0.000000e+00> : vector<128xf32>
    %reduce_sum3A_51 = vector.multi_reduction <add>, %exp3A_49, %reduce_sum3A_50 [0] : vector<496x128xf32> to vector<128xf32>
    %broadcast_in_dim3A_52 = vector.shape_cast %reduce_sum3A_51 : vector<128xf32> to vector<1x128xf32>
    %add3A_53 = arith.addf %mul3A_46, %broadcast_in_dim3A_52 : vector<1x128xf32>
    %get3A_54 = arith.constant 1984 : index
    %get3A_55 = arith.constant 0 : index
    %get3A_56 = vector.load %arg0[%get3A_54, %get3A_55] : memref<7936x128xf32, #tpu.memory_space<vmem>>, vector<496x128xf32>
    %reduce_max3A_57 = arith.constant dense<0xFF800000> : vector<128xf32>
    %reduce_max3A_58 = vector.multi_reduction <maximumf>, %get3A_56, %reduce_max3A_57 [0] : vector<496x128xf32> to vector<128xf32>
    %broadcast_in_dim3A_59 = vector.shape_cast %reduce_max3A_58 : vector<128xf32> to vector<1x128xf32>
    %max3A_60 = arith.maximumf %max3A_43, %broadcast_in_dim3A_59 : vector<1x128xf32>
    %sub3A_61 = arith.subf %max3A_43, %max3A_60 : vector<1x128xf32>
    %exp3A_62 = math.exp %sub3A_61 : vector<1x128xf32>
    %mul3A_63 = arith.mulf %add3A_53, %exp3A_62 : vector<1x128xf32>
    %sub3A_64 = vector.broadcast %max3A_60 : vector<1x128xf32> to vector<496x128xf32>
    %sub3A_65 = arith.subf %get3A_56, %sub3A_64 : vector<496x128xf32>
    %exp3A_66 = math.exp %sub3A_65 : vector<496x128xf32>
    %reduce_sum3A_67 = arith.constant dense<0.000000e+00> : vector<128xf32>
    %reduce_sum3A_68 = vector.multi_reduction <add>, %exp3A_66, %reduce_sum3A_67 [0] : vector<496x128xf32> to vector<128xf32>
    %broadcast_in_dim3A_69 = vector.shape_cast %reduce_sum3A_68 : vector<128xf32> to vector<1x128xf32>
    %add3A_70 = arith.addf %mul3A_63, %broadcast_in_dim3A_69 : vector<1x128xf32>
    %get3A_71 = arith.constant 2480 : index
    %get3A_72 = arith.constant 0 : index
    %get3A_73 = vector.load %arg0[%get3A_71, %get3A_72] : memref<7936x128xf32, #tpu.memory_space<vmem>>, vector<496x128xf32>
    %reduce_max3A_74 = arith.constant dense<0xFF800000> : vector<128xf32>
    %reduce_max3A_75 = vector.multi_reduction <maximumf>, %get3A_73, %reduce_max3A_74 [0] : vector<496x128xf32> to vector<128xf32>
    %broadcast_in_dim3A_76 = vector.shape_cast %reduce_max3A_75 : vector<128xf32> to vector<1x128xf32>
    %max3A_77 = arith.maximumf %max3A_60, %broadcast_in_dim3A_76 : vector<1x128xf32>
    %sub3A_78 = arith.subf %max3A_60, %max3A_77 : vector<1x128xf32>
    %exp3A_79 = math.exp %sub3A_78 : vector<1x128xf32>
    %mul3A_80 = arith.mulf %add3A_70, %exp3A_79 : vector<1x128xf32>
    %sub3A_81 = vector.broadcast %max3A_77 : vector<1x128xf32> to vector<496x128xf32>
    %sub3A_82 = arith.subf %get3A_73, %sub3A_81 : vector<496x128xf32>
    %exp3A_83 = math.exp %sub3A_82 : vector<496x128xf32>
    %reduce_sum3A_84 = arith.constant dense<0.000000e+00> : vector<128xf32>
    %reduce_sum3A_85 = vector.multi_reduction <add>, %exp3A_83, %reduce_sum3A_84 [0] : vector<496x128xf32> to vector<128xf32>
    %broadcast_in_dim3A_86 = vector.shape_cast %reduce_sum3A_85 : vector<128xf32> to vector<1x128xf32>
    %add3A_87 = arith.addf %mul3A_80, %broadcast_in_dim3A_86 : vector<1x128xf32>
    %get3A_88 = arith.constant 2976 : index
    %get3A_89 = arith.constant 0 : index
    %get3A_90 = vector.load %arg0[%get3A_88, %get3A_89] : memref<7936x128xf32, #tpu.memory_space<vmem>>, vector<496x128xf32>
    %reduce_max3A_91 = arith.constant dense<0xFF800000> : vector<128xf32>
    %reduce_max3A_92 = vector.multi_reduction <maximumf>, %get3A_90, %reduce_max3A_91 [0] : vector<496x128xf32> to vector<128xf32>
    %broadcast_in_dim3A_93 = vector.shape_cast %reduce_max3A_92 : vector<128xf32> to vector<1x128xf32>
    %max3A_94 = arith.maximumf %max3A_77, %broadcast_in_dim3A_93 : vector<1x128xf32>
    %sub3A_95 = arith.subf %max3A_77, %max3A_94 : vector<1x128xf32>
    %exp3A_96 = math.exp %sub3A_95 : vector<1x128xf32>
    %mul3A_97 = arith.mulf %add3A_87, %exp3A_96 : vector<1x128xf32>
    %sub3A_98 = vector.broadcast %max3A_94 : vector<1x128xf32> to vector<496x128xf32>
    %sub3A_99 = arith.subf %get3A_90, %sub3A_98 : vector<496x128xf32>
    %exp3A_100 = math.exp %sub3A_99 : vector<496x128xf32>
    %reduce_sum3A_101 = arith.constant dense<0.000000e+00> : vector<128xf32>
    %reduce_sum3A_102 = vector.multi_reduction <add>, %exp3A_100, %reduce_sum3A_101 [0] : vector<496x128xf32> to vector<128xf32>
    %broadcast_in_dim3A_103 = vector.shape_cast %reduce_sum3A_102 : vector<128xf32> to vector<1x128xf32>
    %add3A_104 = arith.addf %mul3A_97, %broadcast_in_dim3A_103 : vector<1x128xf32>
    %get3A_105 = arith.constant 3472 : index
    %get3A_106 = arith.constant 0 : index
    %get3A_107 = vector.load %arg0[%get3A_105, %get3A_106] : memref<7936x128xf32, #tpu.memory_space<vmem>>, vector<496x128xf32>
    %reduce_max3A_108 = arith.constant dense<0xFF800000> : vector<128xf32>
    %reduce_max3A_109 = vector.multi_reduction <maximumf>, %get3A_107, %reduce_max3A_108 [0] : vector<496x128xf32> to vector<128xf32>
    %broadcast_in_dim3A_110 = vector.shape_cast %reduce_max3A_109 : vector<128xf32> to vector<1x128xf32>
    %max3A_111 = arith.maximumf %max3A_94, %broadcast_in_dim3A_110 : vector<1x128xf32>
    %sub3A_112 = arith.subf %max3A_94, %max3A_111 : vector<1x128xf32>
    %exp3A_113 = math.exp %sub3A_112 : vector<1x128xf32>
    %mul3A_114 = arith.mulf %add3A_104, %exp3A_113 : vector<1x128xf32>
    %sub3A_115 = vector.broadcast %max3A_111 : vector<1x128xf32> to vector<496x128xf32>
    %sub3A_116 = arith.subf %get3A_107, %sub3A_115 : vector<496x128xf32>
    %exp3A_117 = math.exp %sub3A_116 : vector<496x128xf32>
    %reduce_sum3A_118 = arith.constant dense<0.000000e+00> : vector<128xf32>
    %reduce_sum3A_119 = vector.multi_reduction <add>, %exp3A_117, %reduce_sum3A_118 [0] : vector<496x128xf32> to vector<128xf32>
    %broadcast_in_dim3A_120 = vector.shape_cast %reduce_sum3A_119 : vector<128xf32> to vector<1x128xf32>
    %add3A_121 = arith.addf %mul3A_114, %broadcast_in_dim3A_120 : vector<1x128xf32>
    %get3A_122 = arith.constant 3968 : index
    %get3A_123 = arith.constant 0 : index
    %get3A_124 = vector.load %arg0[%get3A_122, %get3A_123] : memref<7936x128xf32, #tpu.memory_space<vmem>>, vector<496x128xf32>
    %reduce_max3A_125 = arith.constant dense<0xFF800000> : vector<128xf32>
    %reduce_max3A_126 = vector.multi_reduction <maximumf>, %get3A_124, %reduce_max3A_125 [0] : vector<496x128xf32> to vector<128xf32>
    %broadcast_in_dim3A_127 = vector.shape_cast %reduce_max3A_126 : vector<128xf32> to vector<1x128xf32>
    %max3A_128 = arith.maximumf %max3A_111, %broadcast_in_dim3A_127 : vector<1x128xf32>
    %sub3A_129 = arith.subf %max3A_111, %max3A_128 : vector<1x128xf32>
    %exp3A_130 = math.exp %sub3A_129 : vector<1x128xf32>
    %mul3A_131 = arith.mulf %add3A_121, %exp3A_130 : vector<1x128xf32>
    %sub3A_132 = vector.broadcast %max3A_128 : vector<1x128xf32> to vector<496x128xf32>
    %sub3A_133 = arith.subf %get3A_124, %sub3A_132 : vector<496x128xf32>
    %exp3A_134 = math.exp %sub3A_133 : vector<496x128xf32>
    %reduce_sum3A_135 = arith.constant dense<0.000000e+00> : vector<128xf32>
    %reduce_sum3A_136 = vector.multi_reduction <add>, %exp3A_134, %reduce_sum3A_135 [0] : vector<496x128xf32> to vector<128xf32>
    %broadcast_in_dim3A_137 = vector.shape_cast %reduce_sum3A_136 : vector<128xf32> to vector<1x128xf32>
    %add3A_138 = arith.addf %mul3A_131, %broadcast_in_dim3A_137 : vector<1x128xf32>
    %get3A_139 = arith.constant 4464 : index
    %get3A_140 = arith.constant 0 : index
    %get3A_141 = vector.load %arg0[%get3A_139, %get3A_140] : memref<7936x128xf32, #tpu.memory_space<vmem>>, vector<496x128xf32>
    %reduce_max3A_142 = arith.constant dense<0xFF800000> : vector<128xf32>
    %reduce_max3A_143 = vector.multi_reduction <maximumf>, %get3A_141, %reduce_max3A_142 [0] : vector<496x128xf32> to vector<128xf32>
    %broadcast_in_dim3A_144 = vector.shape_cast %reduce_max3A_143 : vector<128xf32> to vector<1x128xf32>
    %max3A_145 = arith.maximumf %max3A_128, %broadcast_in_dim3A_144 : vector<1x128xf32>
    %sub3A_146 = arith.subf %max3A_128, %max3A_145 : vector<1x128xf32>
    %exp3A_147 = math.exp %sub3A_146 : vector<1x128xf32>
    %mul3A_148 = arith.mulf %add3A_138, %exp3A_147 : vector<1x128xf32>
    %sub3A_149 = vector.broadcast %max3A_145 : vector<1x128xf32> to vector<496x128xf32>
    %sub3A_150 = arith.subf %get3A_141, %sub3A_149 : vector<496x128xf32>
    %exp3A_151 = math.exp %sub3A_150 : vector<496x128xf32>
    %reduce_sum3A_152 = arith.constant dense<0.000000e+00> : vector<128xf32>
    %reduce_sum3A_153 = vector.multi_reduction <add>, %exp3A_151, %reduce_sum3A_152 [0] : vector<496x128xf32> to vector<128xf32>
    %broadcast_in_dim3A_154 = vector.shape_cast %reduce_sum3A_153 : vector<128xf32> to vector<1x128xf32>
    %add3A_155 = arith.addf %mul3A_148, %broadcast_in_dim3A_154 : vector<1x128xf32>
    %get3A_156 = arith.constant 4960 : index
    %get3A_157 = arith.constant 0 : index
    %get3A_158 = vector.load %arg0[%get3A_156, %get3A_157] : memref<7936x128xf32, #tpu.memory_space<vmem>>, vector<496x128xf32>
    %reduce_max3A_159 = arith.constant dense<0xFF800000> : vector<128xf32>
    %reduce_max3A_160 = vector.multi_reduction <maximumf>, %get3A_158, %reduce_max3A_159 [0] : vector<496x128xf32> to vector<128xf32>
    %broadcast_in_dim3A_161 = vector.shape_cast %reduce_max3A_160 : vector<128xf32> to vector<1x128xf32>
    %max3A_162 = arith.maximumf %max3A_145, %broadcast_in_dim3A_161 : vector<1x128xf32>
    %sub3A_163 = arith.subf %max3A_145, %max3A_162 : vector<1x128xf32>
    %exp3A_164 = math.exp %sub3A_163 : vector<1x128xf32>
    %mul3A_165 = arith.mulf %add3A_155, %exp3A_164 : vector<1x128xf32>
    %sub3A_166 = vector.broadcast %max3A_162 : vector<1x128xf32> to vector<496x128xf32>
    %sub3A_167 = arith.subf %get3A_158, %sub3A_166 : vector<496x128xf32>
    %exp3A_168 = math.exp %sub3A_167 : vector<496x128xf32>
    %reduce_sum3A_169 = arith.constant dense<0.000000e+00> : vector<128xf32>
    %reduce_sum3A_170 = vector.multi_reduction <add>, %exp3A_168, %reduce_sum3A_169 [0] : vector<496x128xf32> to vector<128xf32>
    %broadcast_in_dim3A_171 = vector.shape_cast %reduce_sum3A_170 : vector<128xf32> to vector<1x128xf32>
    %add3A_172 = arith.addf %mul3A_165, %broadcast_in_dim3A_171 : vector<1x128xf32>
    %get3A_173 = arith.constant 5456 : index
    %get3A_174 = arith.constant 0 : index
    %get3A_175 = vector.load %arg0[%get3A_173, %get3A_174] : memref<7936x128xf32, #tpu.memory_space<vmem>>, vector<496x128xf32>
    %reduce_max3A_176 = arith.constant dense<0xFF800000> : vector<128xf32>
    %reduce_max3A_177 = vector.multi_reduction <maximumf>, %get3A_175, %reduce_max3A_176 [0] : vector<496x128xf32> to vector<128xf32>
    %broadcast_in_dim3A_178 = vector.shape_cast %reduce_max3A_177 : vector<128xf32> to vector<1x128xf32>
    %max3A_179 = arith.maximumf %max3A_162, %broadcast_in_dim3A_178 : vector<1x128xf32>
    %sub3A_180 = arith.subf %max3A_162, %max3A_179 : vector<1x128xf32>
    %exp3A_181 = math.exp %sub3A_180 : vector<1x128xf32>
    %mul3A_182 = arith.mulf %add3A_172, %exp3A_181 : vector<1x128xf32>
    %sub3A_183 = vector.broadcast %max3A_179 : vector<1x128xf32> to vector<496x128xf32>
    %sub3A_184 = arith.subf %get3A_175, %sub3A_183 : vector<496x128xf32>
    %exp3A_185 = math.exp %sub3A_184 : vector<496x128xf32>
    %reduce_sum3A_186 = arith.constant dense<0.000000e+00> : vector<128xf32>
    %reduce_sum3A_187 = vector.multi_reduction <add>, %exp3A_185, %reduce_sum3A_186 [0] : vector<496x128xf32> to vector<128xf32>
    %broadcast_in_dim3A_188 = vector.shape_cast %reduce_sum3A_187 : vector<128xf32> to vector<1x128xf32>
    %add3A_189 = arith.addf %mul3A_182, %broadcast_in_dim3A_188 : vector<1x128xf32>
    %get3A_190 = arith.constant 5952 : index
    %get3A_191 = arith.constant 0 : index
    %get3A_192 = vector.load %arg0[%get3A_190, %get3A_191] : memref<7936x128xf32, #tpu.memory_space<vmem>>, vector<496x128xf32>
    %reduce_max3A_193 = arith.constant dense<0xFF800000> : vector<128xf32>
    %reduce_max3A_194 = vector.multi_reduction <maximumf>, %get3A_192, %reduce_max3A_193 [0] : vector<496x128xf32> to vector<128xf32>
    %broadcast_in_dim3A_195 = vector.shape_cast %reduce_max3A_194 : vector<128xf32> to vector<1x128xf32>
    %max3A_196 = arith.maximumf %max3A_179, %broadcast_in_dim3A_195 : vector<1x128xf32>
    %sub3A_197 = arith.subf %max3A_179, %max3A_196 : vector<1x128xf32>
    %exp3A_198 = math.exp %sub3A_197 : vector<1x128xf32>
    %mul3A_199 = arith.mulf %add3A_189, %exp3A_198 : vector<1x128xf32>
    %sub3A_200 = vector.broadcast %max3A_196 : vector<1x128xf32> to vector<496x128xf32>
    %sub3A_201 = arith.subf %get3A_192, %sub3A_200 : vector<496x128xf32>
    %exp3A_202 = math.exp %sub3A_201 : vector<496x128xf32>
    %reduce_sum3A_203 = arith.constant dense<0.000000e+00> : vector<128xf32>
    %reduce_sum3A_204 = vector.multi_reduction <add>, %exp3A_202, %reduce_sum3A_203 [0] : vector<496x128xf32> to vector<128xf32>
    %broadcast_in_dim3A_205 = vector.shape_cast %reduce_sum3A_204 : vector<128xf32> to vector<1x128xf32>
    %add3A_206 = arith.addf %mul3A_199, %broadcast_in_dim3A_205 : vector<1x128xf32>
    %get3A_207 = arith.constant 6448 : index
    %get3A_208 = arith.constant 0 : index
    %get3A_209 = vector.load %arg0[%get3A_207, %get3A_208] : memref<7936x128xf32, #tpu.memory_space<vmem>>, vector<496x128xf32>
    %reduce_max3A_210 = arith.constant dense<0xFF800000> : vector<128xf32>
    %reduce_max3A_211 = vector.multi_reduction <maximumf>, %get3A_209, %reduce_max3A_210 [0] : vector<496x128xf32> to vector<128xf32>
    %broadcast_in_dim3A_212 = vector.shape_cast %reduce_max3A_211 : vector<128xf32> to vector<1x128xf32>
    %max3A_213 = arith.maximumf %max3A_196, %broadcast_in_dim3A_212 : vector<1x128xf32>
    %sub3A_214 = arith.subf %max3A_196, %max3A_213 : vector<1x128xf32>
    %exp3A_215 = math.exp %sub3A_214 : vector<1x128xf32>
    %mul3A_216 = arith.mulf %add3A_206, %exp3A_215 : vector<1x128xf32>
    %sub3A_217 = vector.broadcast %max3A_213 : vector<1x128xf32> to vector<496x128xf32>
    %sub3A_218 = arith.subf %get3A_209, %sub3A_217 : vector<496x128xf32>
    %exp3A_219 = math.exp %sub3A_218 : vector<496x128xf32>
    %reduce_sum3A_220 = arith.constant dense<0.000000e+00> : vector<128xf32>
    %reduce_sum3A_221 = vector.multi_reduction <add>, %exp3A_219, %reduce_sum3A_220 [0] : vector<496x128xf32> to vector<128xf32>
    %broadcast_in_dim3A_222 = vector.shape_cast %reduce_sum3A_221 : vector<128xf32> to vector<1x128xf32>
    %add3A_223 = arith.addf %mul3A_216, %broadcast_in_dim3A_222 : vector<1x128xf32>
    %get3A_224 = arith.constant 6944 : index
    %get3A_225 = arith.constant 0 : index
    %get3A_226 = vector.load %arg0[%get3A_224, %get3A_225] : memref<7936x128xf32, #tpu.memory_space<vmem>>, vector<496x128xf32>
    %reduce_max3A_227 = arith.constant dense<0xFF800000> : vector<128xf32>
    %reduce_max3A_228 = vector.multi_reduction <maximumf>, %get3A_226, %reduce_max3A_227 [0] : vector<496x128xf32> to vector<128xf32>
    %broadcast_in_dim3A_229 = vector.shape_cast %reduce_max3A_228 : vector<128xf32> to vector<1x128xf32>
    %max3A_230 = arith.maximumf %max3A_213, %broadcast_in_dim3A_229 : vector<1x128xf32>
    %sub3A_231 = arith.subf %max3A_213, %max3A_230 : vector<1x128xf32>
    %exp3A_232 = math.exp %sub3A_231 : vector<1x128xf32>
    %mul3A_233 = arith.mulf %add3A_223, %exp3A_232 : vector<1x128xf32>
    %sub3A_234 = vector.broadcast %max3A_230 : vector<1x128xf32> to vector<496x128xf32>
    %sub3A_235 = arith.subf %get3A_226, %sub3A_234 : vector<496x128xf32>
    %exp3A_236 = math.exp %sub3A_235 : vector<496x128xf32>
    %reduce_sum3A_237 = arith.constant dense<0.000000e+00> : vector<128xf32>
    %reduce_sum3A_238 = vector.multi_reduction <add>, %exp3A_236, %reduce_sum3A_237 [0] : vector<496x128xf32> to vector<128xf32>
    %broadcast_in_dim3A_239 = vector.shape_cast %reduce_sum3A_238 : vector<128xf32> to vector<1x128xf32>
    %add3A_240 = arith.addf %mul3A_233, %broadcast_in_dim3A_239 : vector<1x128xf32>
    %get3A_241 = arith.constant 7440 : index
    %get3A_242 = arith.constant 0 : index
    %get3A_243 = vector.load %arg0[%get3A_241, %get3A_242] : memref<7936x128xf32, #tpu.memory_space<vmem>>, vector<496x128xf32>
    %reduce_max3A_244 = arith.constant dense<0xFF800000> : vector<128xf32>
    %reduce_max3A_245 = vector.multi_reduction <maximumf>, %get3A_243, %reduce_max3A_244 [0] : vector<496x128xf32> to vector<128xf32>
    %broadcast_in_dim3A_246 = vector.shape_cast %reduce_max3A_245 : vector<128xf32> to vector<1x128xf32>
    %max3A_247 = arith.maximumf %max3A_230, %broadcast_in_dim3A_246 : vector<1x128xf32>
    %sub3A_248 = arith.subf %max3A_230, %max3A_247 : vector<1x128xf32>
    %exp3A_249 = math.exp %sub3A_248 : vector<1x128xf32>
    %mul3A_250 = arith.mulf %add3A_240, %exp3A_249 : vector<1x128xf32>
    %sub3A_251 = vector.broadcast %max3A_247 : vector<1x128xf32> to vector<496x128xf32>
    %sub3A_252 = arith.subf %get3A_243, %sub3A_251 : vector<496x128xf32>
    %exp3A_253 = math.exp %sub3A_252 : vector<496x128xf32>
    %reduce_sum3A_254 = arith.constant dense<0.000000e+00> : vector<128xf32>
    %reduce_sum3A_255 = vector.multi_reduction <add>, %exp3A_253, %reduce_sum3A_254 [0] : vector<496x128xf32> to vector<128xf32>
    %broadcast_in_dim3A_256 = vector.shape_cast %reduce_sum3A_255 : vector<128xf32> to vector<1x128xf32>
    %add3A_257 = arith.addf %mul3A_250, %broadcast_in_dim3A_256 : vector<1x128xf32>
    %reduce_max3A_258 = vector.shape_cast %max3A_247 : vector<1x128xf32> to vector<1x1x128xf32>
    %reduce_max3A_259 = arith.constant dense<0xFF800000> : vector<1xf32>
    %reduce_max3A_260 = vector.multi_reduction <maximumf>, %reduce_max3A_258, %reduce_max3A_259 [1, 2] : vector<1x1x128xf32> to vector<1xf32>
    %reduce_max3A_261 = vector.shape_cast %reduce_max3A_260 : vector<1xf32> to vector<1x1x1xf32>
    %reduce_max3A_262 = vector.extract %reduce_max3A_261[0, 0, 0] : f32 from vector<1x1x1xf32>
    %sub3A_263 = vector.broadcast %reduce_max3A_262 : f32 to vector<1x128xf32>
    %sub3A_264 = arith.subf %max3A_247, %sub3A_263 : vector<1x128xf32>
    %exp3A_265 = math.exp %sub3A_264 : vector<1x128xf32>
    %mul3A_266 = arith.mulf %add3A_257, %exp3A_265 : vector<1x128xf32>
    %reduce_sum3A_267 = vector.shape_cast %mul3A_266 : vector<1x128xf32> to vector<1x1x128xf32>
    %reduce_sum3A_268 = arith.constant dense<0.000000e+00> : vector<1xf32>
    %reduce_sum3A_269 = vector.multi_reduction <add>, %reduce_sum3A_267, %reduce_sum3A_268 [1, 2] : vector<1x1x128xf32> to vector<1xf32>
    %reduce_sum3A_270 = vector.shape_cast %reduce_sum3A_269 : vector<1xf32> to vector<1x1x1xf32>
    %reduce_sum3A_271 = vector.extract %reduce_sum3A_270[0, 0, 0] : f32 from vector<1x1x1xf32>
    %div3A = arith.constant 0.999998986 : f32
    %div3A_272 = arith.divf %div3A, %reduce_sum3A_271 : f32
    %iota3A = tpu.iota {dimensions = array<i32: 0>} : vector<8x128xi32>
    %lt3A = arith.constant 1 : i32
    %lt3A_273 = vector.broadcast %lt3A : i32 to vector<8x128xi32>
    %lt3A_274 = arith.cmpi slt, %iota3A, %lt3A_273 : vector<8x128xi32>
    %broadcast_in_dim3A_275 = vector.broadcast %reduce_max3A_262 : f32 to vector<8x128xf32>
    %broadcast_in_dim3A_276 = vector.broadcast %div3A_272 : f32 to vector<8x128xf32>
    %select_n3A = arith.select %lt3A_274, %broadcast_in_dim3A_275, %broadcast_in_dim3A_276 : vector<8x128xi1>, vector<8x128xf32>
    %swap3A = arith.constant 0 : index
    %swap3A_277 = arith.constant 0 : index
    %swap3A_278 = vector.load %arg1[%swap3A, %swap3A_277] : memref<8x128xf32, #tpu.memory_space<vmem>>, vector<8x128xf32>
    tpu.vector_store %arg1[%swap3A, %swap3A_277], %select_n3A {strides = array<i32>} : memref<8x128xf32, #tpu.memory_space<vmem>>, vector<8x128xf32>,
    return
  }
}

module attributes {stable_mosaic.version = 14 : i64} {
  func.func @_pad_body(%arg0: memref<1000000xf32, #tpu.memory_space<any>>, %arg1: memref<1015808xf32, #tpu.memory_space<any>>, %arg2: memref<576xf32, #tpu.memory_space<vmem>>, %arg3: memref<16384xf32, #tpu.memory_space<vmem>>, %arg4: memref<!tpu.dma_semaphore, #tpu.memory_space<semaphore_mem>>, %arg5: memref<!tpu.dma_semaphore, #tpu.memory_space<semaphore_mem>>, %arg6: memref<!tpu.dma_semaphore, #tpu.memory_space<semaphore_mem>>) attributes {dimension_semantics = [], scalar_prefetch = 0 : i64, scratch_operands = 5 : i64, tpu.core_type = #tpu.core_type<tc>} {
    %dma_start3A = arith.constant 0 : i32
    %dma_start3A_0 = tpu.memref_slice %arg1[%dma_start3A] : memref<1015808xf32, #tpu.memory_space<any>> -> memref<999424xf32, #tpu.memory_space<any>>
    %dma_start3A_1 = arith.constant 0 : i32
    %dma_start3A_2 = tpu.memref_slice %arg0[%dma_start3A_1] : memref<1000000xf32, #tpu.memory_space<any>> -> memref<999424xf32, #tpu.memory_space<any>>
    tpu.enqueue_dma source(%dma_start3A_2 : memref<999424xf32, #tpu.memory_space<any>>) target(%dma_start3A_0 : memref<999424xf32, #tpu.memory_space<any>>) target_semaphore(%arg4 : memref<!tpu.dma_semaphore, #tpu.memory_space<semaphore_mem>>)
    %dma_start3A_3 = arith.constant 999424 : i32
    %dma_start3A_4 = tpu.memref_slice %arg0[%dma_start3A_3] : memref<1000000xf32, #tpu.memory_space<any>> -> memref<576xf32, #tpu.memory_space<any>>
    tpu.enqueue_dma source(%dma_start3A_4 : memref<576xf32, #tpu.memory_space<any>>) target(%arg2 : memref<576xf32, #tpu.memory_space<vmem>>) target_semaphore(%arg5 : memref<!tpu.dma_semaphore, #tpu.memory_space<semaphore_mem>>)
    %dma_wait3A = arith.constant 999424 : i32
    %dma_wait3A_5 = tpu.memref_slice %arg0[%dma_wait3A] : memref<1000000xf32, #tpu.memory_space<any>> -> memref<576xf32, #tpu.memory_space<any>>
    tpu.wait_dma2 semaphore(%arg5 : memref<!tpu.dma_semaphore, #tpu.memory_space<semaphore_mem>>) src(%dma_wait3A_5 : memref<576xf32, #tpu.memory_space<any>>) dst(%arg2 : memref<576xf32, #tpu.memory_space<vmem>>)
    %get3A = arith.constant 0 : index
    %get3A_6 = vector.load %arg2[%get3A] : memref<576xf32, #tpu.memory_space<vmem>>, vector<576xf32>
    %broadcast_in_dim3A = arith.constant 0xFF800000 : f32
    %broadcast_in_dim3A_7 = vector.broadcast %broadcast_in_dim3A : f32 to vector<15808xf32>
    %concatenate3A = tpu.concatenate %get3A_6, %broadcast_in_dim3A_7 in 0 : vector<576xf32>, vector<15808xf32> -> vector<16384xf32>
    %swap3A = arith.constant 0 : index
    %swap3A_8 = vector.load %arg3[%swap3A] : memref<16384xf32, #tpu.memory_space<vmem>>, vector<16384xf32>
    tpu.vector_store %arg3[%swap3A], %concatenate3A {strides = array<i32>} : memref<16384xf32, #tpu.memory_space<vmem>>, vector<16384xf32>,
    %dma_start3A_9 = arith.constant 999424 : i32
    %dma_start3A_10 = tpu.memref_slice %arg1[%dma_start3A_9] : memref<1015808xf32, #tpu.memory_space<any>> -> memref<16384xf32, #tpu.memory_space<any>>
    tpu.enqueue_dma source(%arg3 : memref<16384xf32, #tpu.memory_space<vmem>>) target(%dma_start3A_10 : memref<16384xf32, #tpu.memory_space<any>>) target_semaphore(%arg6 : memref<!tpu.dma_semaphore, #tpu.memory_space<semaphore_mem>>)
    %dma_wait3A_11 = arith.constant 0 : i32
    %dma_wait3A_12 = tpu.memref_slice %arg1[%dma_wait3A_11] : memref<1015808xf32, #tpu.memory_space<any>> -> memref<999424xf32, #tpu.memory_space<any>>
    %dma_wait3A_13 = arith.constant 0 : i32
    %dma_wait3A_14 = tpu.memref_slice %arg0[%dma_wait3A_13] : memref<1000000xf32, #tpu.memory_space<any>> -> memref<999424xf32, #tpu.memory_space<any>>
    tpu.wait_dma2 semaphore(%arg4 : memref<!tpu.dma_semaphore, #tpu.memory_space<semaphore_mem>>) src(%dma_wait3A_14 : memref<999424xf32, #tpu.memory_space<any>>) dst(%dma_wait3A_12 : memref<999424xf32, #tpu.memory_space<any>>)
    %dma_wait3A_15 = arith.constant 999424 : i32
    %dma_wait3A_16 = tpu.memref_slice %arg1[%dma_wait3A_15] : memref<1015808xf32, #tpu.memory_space<any>> -> memref<16384xf32, #tpu.memory_space<any>>
    tpu.wait_dma2 semaphore(%arg6 : memref<!tpu.dma_semaphore, #tpu.memory_space<semaphore_mem>>) src(%arg3 : memref<16384xf32, #tpu.memory_space<vmem>>) dst(%dma_wait3A_16 : memref<16384xf32, #tpu.memory_space<any>>)
    return
  }
}

</mosaic_0001>

<sc_bundles>
// kernel: kernel.6.cloned.1.call-start
scs
__scs_entry_jumppad:
0x0: {  	(pc) =	sbr.rel $0x88, $3  }
0x1: {  	(tag) =	ssettag $0x0;
	lr =	simm.s32 $0x1  }
0x2: {  	[smem:$0x3F9F] =	sst lr;
	_ =	strace $0xD0000000  }
0x3: {  	_ = 	snop  }
0x4: {  	_ = 	snop  }
0x5: {  	_ = 	snop  }
0x6: {  	_ = 	snop  }
0x7: {  	_ = 	snop  }
__scs_overlays_trampoline_lowered:
0x8: {  	[smem:$0x3FAE] =	sst s0  }
0x9: {  	[smem:$0x3FAF] =	sst s1  }
0xa: {  	[smem:$0x3FB0] =	sst s2  }
0xb: {  	[smem:$0x3FB1] =	sst s3  }
0xc: {  	[smem:$0x3FB2] =	sst s4  }
0xd: {  	[smem:$0x3FB3] =	sst s5  }
0xe: {  	[smem:$0x3FB4] =	sst s6  }
0xf: {  	[smem:$0x3FB5] =	sst s7  }
0x10: {  	[smem:$0x3FB6] =	sst s8  }
0x11: {  	[smem:$0x3FB7] =	sst s9;
	s0 =	simm.s32 @!p0 $0x0  }
0x12: {  	s1 =	sld [smem:$0x3F9D];
	s0 =	simm.s32 @p0 $0x1  }
0x13: {  	[smem:$0x3FB8] =	sst s0;
	s0 =	simm.s32 @!p1 $0x0  }
0x14: {  	s2 =	sld [smem:$0x3F9C];
	s0 =	simm.s32 @p1 $0x1  }
0x15: {  	[smem:$0x3FB9] =	sst s0;
	s0 =	simm.s32 @!p2 $0x0  }
0x16: {  	s3 =	sld [smem:$0x3FDB];
	s0 =	simm.s32 @p2 $0x1  }
0x17: {  	s4 =	simm.s32 $0x1BF5;
	[smem:$0x3FBB] =	sst s0  }
0x18: {  	s0 =	sld [smem:$0x3F9E];
	_ =	swait.ge [sflag:s4], $0x0  }
0x19: {  	s7 =	sld [smem:$0x3F9F]  }
0x1a: {  	s8 =	sadd.s32 $0xFFFFE003, lr  }
0x1b: {  	s9 =	sadd.s32 $0xFFFFFEF7, lr;
	s5 =	simm.s32 $0xFFFFFFFF;
	p2 =	slt.u32 s8, $0xFFFFF086  }
0x1c: {  	p1 =	slt.u32 s9, $0xF7A;
	s5 =	simm.s32 @!p2 $0x0  }
0x1d: {  	s5 =	simm.s32 @p1 $0x1;
	p0 =	seq.s32 s7, s2  }
0x1e: {  	s7 =	smul.u32 @!p0 $0xF7A, s2;
	p2 =	seq.s32 @!p0 s5, $0x0  }
0x1f: {  	s9 =	smul.u32 $0xF7A, s1;
	s8 =	simm.s32 @!p0 $0x1BF5;
	p2 =	por !p2, p0  }
0x20: {  	[sflag:s8] =	ssyncset.s32 @!p0 $0xFFFFF086;
	s6 =	sadd.s32 @!p0 s3, s7;
	s7 =	simm.s32 @!p0 $0x108  }
0x21: {  	s3 =	sadd.s32 s3, s9;
	s6 =	sadd.s32 @!p0 $0x88, s6;
	s7 =	simm.s32 @p2 $0x1082  }
0x22: {  	[simem:s7], [sflag:s8] =	dma.local @!p0 [hbm:s6], $0xF7A  }
0x23: {  	s9 =	sor.u32 $0xD0000000, s2;
	s6 =	simm.s32 $0x108;
	_ =	swait.ge @!p0 [sflag:s8], $0x0  }
0x24: {  	s3 =	sadd.s32 $0x88, s3;
	s6 =	simm.s32 @!p1 $0x1082;
	[sflag:s4] =	ssyncset.s32 $0xFFFFF086  }
0x25: {  	[simem:s6], [sflag:s4] =	dma.local [hbm:s3], $0xF7A  }
0x26: {  	[smem:$0x3F9F] =	sst s1;
	(tag) =	ssettag s2;
	_ =	strace s9  }
0x27: {  	s1 =	sld [smem:$0x3FAF]  }
0x28: {  	s2 =	sld [smem:$0x3FB0]  }
0x29: {  	s4 =	sld [smem:$0x3FB2]  }
0x2a: {  	p0 =	seq.s32 s5, $0x0;
	s5 =	sld [smem:$0x3FB3]  }
0x2b: {  	s6 =	sld [smem:$0x3FB4]  }
0x2c: {  	s7 =	sld [smem:$0x3FB5]  }
0x2d: {  	s3 =	simm.s32 $0x108;
	s8 =	sld [smem:$0x3FB6]  }
0x2e: {  	s3 =	simm.s32 @!p0 $0x1082;
	s9 =	sld [smem:$0x3FB7]  }
0x2f: {  	lr =	sadd.s32 s0, s3;
	s0 =	sld [smem:$0x3FAE]  }
0x30: {  	s3 =	sld [smem:$0x3FB1]  }
0x31: {  	[smem:$0x3FBA] =	sst s10  }
0x32: {  	s10 =	sld [smem:$0x3FB8];
	_ =	sdelay $0x3  }
0x33: {  	p0 =	seq.s32 s10, $0x1;
	s10 =	sld [smem:$0x3FBA];
	_ =	sdelay $0x3  }
0x34: {  	[smem:$0x3FBA] =	sst s10  }
0x35: {  	s10 =	sld [smem:$0x3FB9];
	_ =	sdelay $0x3  }
0x36: {  	p1 =	seq.s32 s10, $0x1;
	s10 =	sld [smem:$0x3FBA];
	_ =	sdelay $0x3  }
0x37: {  	[smem:$0x3FBA] =	sst s10  }
0x38: {  	s10 =	sld [smem:$0x3FBB]  }
0x39: {  	_ = 	snop;
	(pc) =	sbr.ind lr, $3  }
0x3a: {  	_ = 	snop  }
0x3b: {  	_ = 	snop  }
0x3c: {  	p2 =	seq.s32 s10, $0x1;
	s10 =	sld [smem:$0x3FBA]  }
0x3d: {  	_ =	shalt  }
0x3e: {  	_ =	shalt  }
0x3f: {  	_ =	shalt  }
0x40: {  	_ =	shalt  }
0x41: {  	_ =	shalt  }
0x42: {  	_ =	shalt  }
0x43: {  	_ =	shalt  }
0x44: {  	_ =	shalt  }
0x45: {  	_ =	shalt  }
0x46: {  	_ =	shalt  }
0x47: {  	_ =	shalt  }
0x48: {  	_ =	shalt  }
0x49: {  	_ =	shalt  }
0x4a: {  	_ =	shalt  }
0x4b: {  	_ =	shalt  }
0x4c: {  	_ =	shalt  }
0x4d: {  	_ =	shalt  }
0x4e: {  	_ =	shalt  }
0x4f: {  	_ =	shalt  }
0x50: {  	_ =	shalt  }
0x51: {  	_ =	shalt  }
0x52: {  	_ =	shalt  }
0x53: {  	_ =	shalt  }
0x54: {  	_ =	shalt  }
0x55: {  	_ =	shalt  }
0x56: {  	_ =	shalt  }
0x57: {  	_ =	shalt  }
0x58: {  	_ =	shalt  }
0x59: {  	_ =	shalt  }
0x5a: {  	_ =	shalt  }
0x5b: {  	_ =	shalt  }
0x5c: {  	_ =	shalt  }
0x5d: {  	_ =	shalt  }
0x5e: {  	_ =	shalt  }
0x5f: {  	_ =	shalt  }
0x60: {  	_ =	shalt  }
0x61: {  	_ =	shalt  }
0x62: {  	_ =	shalt  }
0x63: {  	_ =	shalt  }
0x64: {  	_ =	shalt  }
0x65: {  	_ =	shalt  }
0x66: {  	_ =	shalt  }
0x67: {  	_ =	shalt  }
0x68: {  	_ =	shalt  }
0x69: {  	_ =	shalt  }
0x6a: {  	_ =	shalt  }
0x6b: {  	_ =	shalt  }
0x6c: {  	_ =	shalt  }
0x6d: {  	_ =	shalt  }
0x6e: {  	_ =	shalt  }
0x6f: {  	_ =	shalt  }
0x70: {  	_ =	shalt  }
0x71: {  	_ =	shalt  }
0x72: {  	_ =	shalt  }
0x73: {  	_ =	shalt  }
0x74: {  	_ =	shalt  }
0x75: {  	_ =	shalt  }
0x76: {  	_ =	shalt  }
0x77: {  	_ =	shalt  }
0x78: {  	_ =	shalt  }
0x79: {  	_ =	shalt  }
0x7a: {  	_ =	shalt  }
0x7b: {  	_ =	shalt  }
0x7c: {  	_ =	shalt  }
0x7d: {  	_ =	shalt  }
0x7e: {  	_ =	shalt  }
0x7f: {  	_ =	shalt  }
0x80: {  	_ =	shalt  }
0x81: {  	_ =	shalt  }
0x82: {  	_ =	shalt  }
0x83: {  	_ =	shalt  }
0x84: {  	_ =	shalt  }
0x85: {  	_ =	shalt  }
0x86: {  	_ =	shalt  }
0x87: {  	_ =	shalt  }
.Lfunc_end0:
.L_simem_size_0:
called_computation_lowered:
.L_overlay_start_0:
0x88: {  	s0 =	sld [smem:$0x3FD9]  }
0x89: {  	s1 =	sld [smem:$0x3FFE];
	_ =	sdelay $0x3  }
0x8a: {  	s0 =	sadd.s32 s1, s0  }
0x8b: {  	[smem:$0x3FC6] =	sst s0  }
0x8c: {  	_ = 	snop  }
0x8d: {  	s0 =	sld [smem:$0x3FC9]  }
0x8e: {  	s17 =	sld [smem:$0x3FC8]  }
0x8f: {  	s2 =	sld [smem:$0x3FD0];
	(tm) =	ssettm $0x1  }
0x90: {  	s3 =	sld [smem:$0x3FFB];
	_ =	sdelay $0x3  }
0x91: {  	_ =	strace s3  }
0x92: {  	s3 =	sld [smem:$0x3FFC];
	_ =	sdelay $0x3  }
0x93: {  	_ =	strace s3  }
0x94: {  	s3 =	sld [smem:$0x3FFD];
	_ =	sdelay $0x3  }
0x95: {  	_ =	strace s3  }
0x96: {  	_ =	strace $0x8FFFFFFF  }
0x97: {  	s18 =	sld [smem:$0x3FDB];
	_ =	sdelay $0x1  }
0x98: {  	s4 =	simm.s32 $_scs_section_size  }
0x99: {  	s5 =	simm.s32 $_size__tile_overlayer_lowered;
	s6 =	simm.s32 $_tile_overlayer_lowered  }
0x9a: {  	s21 =	simm.s32 $0x1BFF;
	s20 =	sshll.u32 s6, $0x1;
	s3 =	sadd.s32 s4, s18  }
0x9b: {  	s7 =	simm.s32 $0x0;
	s19 =	sshll.u32 s5, $0x1;
	s5 =	sadd.s32 s20, s3  }
0x9c: {  	[timem:s7], [sflag:s21] =	dma.local [hbm:s5], s19  }
0x9d: {  	_ =	swait.ge [sflag:s21], s19  }
0x9e: {  	s4 =	ssub.s32 $0x0, s19;
	[sflag:s21] =	ssyncset.done $0x0  }
0x9f: {  	[sflag:s21] =	ssyncadd.s32 s4;
	_ =	sdelay $0x1  }
0xa0: {  	s22 =	simm.s32 $0x1B8B  }
0xa1: {  	_ =	swait.ge [sflag:s22], $0x1  }
0xa2: {  	[sflag:s22] =	ssyncset.done $0x0  }
0xa3: {  	s23 =	simm.s32 $0x1B8E;
	[sflag:s22] =	ssyncadd.s32 $0xFFFFFFFF  }
0xa4: {  	s24 =	simm.s32 $execute0_lowered;
	[smem:$0x3FD2] =	sst s23  }
0xa5: {  	s4 =	sshll.u32 s24, $0x1;
	_ =	strace $0x80000046;
	[dreg:$0x1] =	wrdreg $0xFFFFFFFF  }
0xa6: {  	s25 =	simm.s32 $_size_execute0_lowered;
	s3 =	sadd.s32 s3, s4;
	[dreg:$0x0] =	wrdreg $0x0  }
0xa7: {  	s4 =	sshll.u32 s25, $0x1;
	[dreg:$0x2] =	wrdreg s3  }
0xa8: {  	[dreg:$0x3] =	wrdreg s4  }
0xa9: {  	[dreg:$0x4] =	wrdreg $0xC0  }
0xaa: {  	_ =	task [dreg:s7], $0x5FFFF  }
0xab: {  	[dreg:$0x1] =	wrdreg $0xFFFFFFFF  }
0xac: {  	[dreg:$0x0] =	wrdreg $0x60  }
0xad: {  	[dreg:$0x2] =	wrdreg s17  }
0xae: {  	[dreg:$0x3] =	wrdreg s0  }
0xaf: {  	[dreg:$0x4] =	wrdreg s2  }
0xb0: {  	[dreg:$0x5] =	wrdreg $0x9  }
0xb1: {  	_ =	task.clear_ibuf [dreg:s7], $0x6FFFF;
	_ =	strace $0x90000046  }
0xb2: {  	s26 =	simm.s32 $0x9;
	_ =	strace $0x80000048  }
0xb3: {  	_ =	swait.ge [sflag:s26], $0x1  }
0xb4: {  	[sflag:s26] =	ssyncadd.s32 $0xFFFFFFFF  }
0xb5: {  	_ =	strace $0x90000048  }
0xb6: {  	_ =	sfence  }
0xb7: {  	s28 =	sld [smem:$0x0];
	_ =	sdelay $0x1  }
0xb8: {  	s29 =	srdreg.scid  }
0xb9: {  	s30 =	sshll.u32 s29, $0xD;
	s31 =	sshrl.u32 s29, $0x2  }
0xba: {  	s1 =	sand.u32 $0x1, s29;
	s2 =	sand.u32 $0x4000, s30;
	s0 =	sadd.s32 s31, s28  }
0xbb: {  	s1 =	sor.u32 s2, s1;
	s0 =	sshll.u32 s0, $0x11  }
0xbc: {  	s0 =	sor.u32 s0, s1  }
0xbd: {  	s0 =	sadd.s32 $0x8F2B, s0  }
0xbe: {  	[sflag:s0] =	ssyncadd.remote.s32 $0x1  }
0xbf: {  	_ =	sfence.sel $0xFFFF  }
0xc0: {  	[dreg:$0x0] =	wrdreg $0xFFFFFFFF;
	(pc) =	sbr.abs _section_cstart, $3  }
0xc1: {  	[dreg:$0x1] =	wrdreg $0xFFFFFFFF  }
0xc2: {  	_ =	task.clear_ibuf [dreg:s7], $0x2FFFF;
	_ =	strace $0x9FFFFFFF  }
0xc3: {  	(tm) =	ssettm $0x7FFFFFFF  }
tec
execute0_lowered:
.L_overlay_start_1:
0x0: {  	(tag) =	ssettag $0x1  }
0x1: {  	s5 =	rddreg [dreg:$0x0]  }
0x2: {  	s6 =	rddreg [dreg:$0x1]  }
0x3: {  	s2 =	rddreg [dreg:$0x2];
	s3 =	simm.s32 $0x0;
	s1 =	stileid.u32  }
0x4: {  	[smem:$0x7FF] =	sst s3;
	s4 =	sshll.u32 s1, $0x7  }
0x5: {  	s0 =	rddreg [dreg:$0x3];
	_ =	strace $0x80000047;
	s6 =	sadd.s32 s6, s4  }
0x6: {  	[tilespmem:s3], [sflag:$0x1] =	stream.linear.gather [hbm4b:s6+s3], $0x80, $0x38;
	[tilespmem:$0x800] =	vst v63  }
0x7: {  	s7 =	simm.s32 $0x80;
	s8 =	sadd.s32 $0x10, s6  }
0x8: {  	[tilespmem:s7], [sflag:$0x2] =	stream.linear.gather [hbm4b:s8+s3], $0x80, $0x38;
	[tilespmem:$0x800] =	vst v63  }
0x9: {  	s9 =	simm.s32 $0x100;
	s25 =	sadd.s32 $0x20, s6  }
0xa: {  	[tilespmem:s9], [sflag:$0x3] =	stream.linear.gather [hbm4b:s25+s3], $0x80, $0x38;
	[tilespmem:$0x800] =	vst v63  }
0xb: {  	s10 =	simm.s32 $0x180;
	s26 =	sadd.s32 $0x30, s6  }
0xc: {  	[tilespmem:s10], [sflag:$0x4] =	stream.linear.gather [hbm4b:s26+s3], $0x80, $0x38;
	[tilespmem:$0x800] =	vst v63  }
0xd: {  	s11 =	simm.s32 $0x200;
	s28 =	sadd.s32 $0x40, s6  }
0xe: {  	[tilespmem:s11], [sflag:$0x5] =	stream.linear.gather [hbm4b:s28+s3], $0x80, $0x38;
	[tilespmem:$0x800] =	vst v63  }
0xf: {  	s12 =	simm.s32 $0x280;
	s29 =	sadd.s32 $0x50, s6  }
0x10: {  	[tilespmem:s12], [sflag:$0x6] =	stream.linear.gather [hbm4b:s29+s3], $0x80, $0x38;
	[tilespmem:$0x800] =	vst v63  }
0x11: {  	s13 =	simm.s32 $0x300;
	s30 =	sadd.s32 $0x60, s6  }
0x12: {  	[tilespmem:s13], [sflag:$0x7] =	stream.linear.gather [hbm4b:s30+s3], $0x80, $0x38;
	[tilespmem:$0x800] =	vst v63  }
0x13: {  	s31 =	simm.s32 $0x380;
	s14 =	simm.s32 $0x1;
	s6 =	sadd.s32 $0x70, s6  }
0x14: {  	[tilespmem:s31], [sflag:$0x8] =	stream.linear.gather [hbm4b:s6+s3], $0x80, $0x38;
	[tilespmem:$0x800] =	vst v63  }
0x15: {  	_ =	swait.ge [sflag:s14], $0x80  }
0x16: {  	[sflag:s14] =	ssyncset.done $0x0  }
0x17: {  	s15 =	simm.s32 $0x400;
	[sflag:s14] =	ssyncadd.s32 $0xFFFFFF80;
	s14 =	simm.s32 $0x2  }
0x18: {  	[tilespmem:s15], [sflag:$0x9] =	stream.indirect.gather [hbm4b:s5+s7], $0x1, s3, s7, $0xb8;
	[tilespmem:$0x800] =	vst v63  }
0x19: {  	_ =	swait.ge [sflag:s14], $0x80  }
0x1a: {  	[sflag:s14] =	ssyncset.done $0x0  }
0x1b: {  	s16 =	simm.s32 $0x480;
	s17 =	simm.s32 $0x3;
	[sflag:s14] =	ssyncadd.s32 $0xFFFFFF80  }
0x1c: {  	[tilespmem:s16], [sflag:$0x9] =	stream.indirect.gather [hbm4b:s5+s7], $0x1, s7, s7, $0xb8;
	[tilespmem:$0x800] =	vst v63  }
0x1d: {  	_ =	swait.ge [sflag:s17], $0x80  }
0x1e: {  	[sflag:s17] =	ssyncset.done $0x0  }
0x1f: {  	s18 =	simm.s32 $0x500;
	s19 =	simm.s32 $0x4;
	[sflag:s17] =	ssyncadd.s32 $0xFFFFFF80  }
0x20: {  	[tilespmem:s18], [sflag:$0x9] =	stream.indirect.gather [hbm4b:s5+s7], $0x1, s9, s7, $0xb8;
	[tilespmem:$0x800] =	vst v63  }
0x21: {  	_ =	swait.ge [sflag:s19], $0x80  }
0x22: {  	[sflag:s19] =	ssyncset.done $0x0  }
0x23: {  	s20 =	simm.s32 $0x580;
	s21 =	simm.s32 $0x5;
	[sflag:s19] =	ssyncadd.s32 $0xFFFFFF80  }
0x24: {  	[tilespmem:s20], [sflag:$0x9] =	stream.indirect.gather [hbm4b:s5+s7], $0x1, s10, s7, $0xb8;
	[tilespmem:$0x800] =	vst v63  }
0x25: {  	_ =	swait.ge [sflag:s21], $0x80  }
0x26: {  	[sflag:s21] =	ssyncset.done $0x0  }
0x27: {  	s22 =	simm.s32 $0x600;
	s23 =	simm.s32 $0x6;
	[sflag:s21] =	ssyncadd.s32 $0xFFFFFF80  }
0x28: {  	[tilespmem:s22], [sflag:$0x9] =	stream.indirect.gather [hbm4b:s5+s7], $0x1, s11, s7, $0xb8;
	[tilespmem:$0x800] =	vst v63  }
0x29: {  	_ =	swait.ge [sflag:s23], $0x80  }
0x2a: {  	[sflag:s23] =	ssyncset.done $0x0  }
0x2b: {  	s24 =	simm.s32 $0x680;
	s25 =	simm.s32 $0x7;
	[sflag:s23] =	ssyncadd.s32 $0xFFFFFF80  }
0x2c: {  	[tilespmem:s24], [sflag:$0x9] =	stream.indirect.gather [hbm4b:s5+s7], $0x1, s12, s7, $0xb8;
	[tilespmem:$0x800] =	vst v63  }
0x2d: {  	_ =	swait.ge [sflag:s25], $0x80  }
0x2e: {  	[sflag:s25] =	ssyncset.done $0x0  }
0x2f: {  	s26 =	simm.s32 $0x700;
	s28 =	simm.s32 $0x8;
	[sflag:s25] =	ssyncadd.s32 $0xFFFFFF80  }
0x30: {  	[tilespmem:s26], [sflag:$0x9] =	stream.indirect.gather [hbm4b:s5+s7], $0x1, s13, s7, $0xb8;
	[tilespmem:$0x800] =	vst v63  }
0x31: {  	_ =	swait.ge [sflag:s28], $0x80  }
0x32: {  	[sflag:s28] =	ssyncset.done $0x0  }
0x33: {  	s29 =	simm.s32 $0x780;
	s30 =	simm.s32 $0x9;
	[sflag:s28] =	ssyncadd.s32 $0xFFFFFF80  }
0x34: {  	[tilespmem:s29], [sflag:$0x9] =	stream.indirect.gather [hbm4b:s5+s7], $0x1, s31, s7, $0xb8;
	[tilespmem:$0x800] =	vst v63  }
0x35: {  	_ =	swait.ge [sflag:s30], $0x80  }
0x36: {  	[sflag:s30] =	ssyncset.done $0x0  }
0x37: {  	[sflag:s30] =	ssyncadd.s32 $0xFFFFFF80  }
0x38: {  	_ =	swait.ge [sflag:s30], $0x80  }
0x39: {  	[sflag:s30] =	ssyncset.done $0x0  }
0x3a: {  	[sflag:s30] =	ssyncadd.s32 $0xFFFFFF80  }
0x3b: {  	_ =	swait.ge [sflag:s30], $0x80  }
0x3c: {  	[sflag:s30] =	ssyncset.done $0x0  }
0x3d: {  	[sflag:s30] =	ssyncadd.s32 $0xFFFFFF80  }
0x3e: {  	_ =	swait.ge [sflag:s30], $0x80  }
0x3f: {  	[sflag:s30] =	ssyncset.done $0x0  }
0x40: {  	[sflag:s30] =	ssyncadd.s32 $0xFFFFFF80  }
0x41: {  	_ =	swait.ge [sflag:s30], $0x80  }
0x42: {  	[sflag:s30] =	ssyncset.done $0x0  }
0x43: {  	[sflag:s30] =	ssyncadd.s32 $0xFFFFFF80  }
0x44: {  	_ =	swait.ge [sflag:s30], $0x80  }
0x45: {  	[sflag:s30] =	ssyncset.done $0x0  }
0x46: {  	[sflag:s30] =	ssyncadd.s32 $0xFFFFFF80  }
0x47: {  	_ =	swait.ge [sflag:s30], $0x80  }
0x48: {  	[sflag:s30] =	ssyncset.done $0x0  }
0x49: {  	[sflag:s30] =	ssyncadd.s32 $0xFFFFFF80  }
0x4a: {  	_ =	swait.ge [sflag:s30], $0x80  }
0x4b: {  	[sflag:s30] =	ssyncset.done $0x0  }
0x4c: {  	s2 =	sadd.s32 s2, s4;
	s31 =	simm.s32 $0xA;
	[sflag:s30] =	ssyncadd.s32 $0xFFFFFF80  }
0x4d: {  	[hbm4b:s2+s3] =	stream.linear.scatter [tilespmem:s15], [sflag:$0xA], $0x400, $0x38;
	[tilespmem:$0x800] =	vst v63  }
0x4e: {  	_ =	swait.ge [sflag:s31], $0x400  }
0x4f: {  	[sflag:s31] =	ssyncset.done $0x0  }
0x50: {  	[sflag:s31] =	ssyncadd.s32 $0xFFFFFC00  }
0x51: {  	_ =	sfence.sel $0x180000  }
0x52: {  	[bflag:$0x0] =	sbarrier.arrive $0xFFFF  }
0x53: {  	p0 =	sne.s32 s1, $0x0;
	_ =	strace $0x90000047  }
0x54: {  	s0 =	sadd.s32 @!p0 $0x100000, s0;
	[bflag:$0x2] =	sbarrier.arrive $0xFFFF  }
0x55: {  	[sflag:s0] =	ssyncadd.tile.s32 @!p0 $0x1;
	_ =	shalt  }
.Lfunc_end2:
_tile_overlayer_lowered:
.L_overlay_start_2:
0x56: {  	(tag) =	ssettag $0x2  }
0x57: {  	s0 =	rddreg [dreg:$0x0];
	s2 =	stileid.u32  }
0x58: {  	s1 =	rddreg [dreg:$0x1];
	p0 =	sne.s32 s2, $0x0  }
0x59: {  	s3 =	rddreg [dreg:$0x2];
	[bflag:$0x3] =	sbarrier.arrive $0xFFFF;
	s2 =	simm.s32 @!p0 $0x1C0A  }
0x5a: {  	[timem:s3], [sflag:s2] =	dma.local @!p0 [hbm:s0], s1  }
0x5b: {  	s0 =	simm.s32 @!p0 $0xA  }
0x5c: {  	_ =	swait.ge @!p0 [sflag:s0], s1  }
0x5d: {  	s1 =	ssub.s32 @!p0 $0x0, s1;
	[sflag:s0] =	ssyncset.done @!p0 $0x0  }
0x5e: {  	[sflag:s0] =	ssyncadd.s32 @!p0 s1  }
0x5f: {  	[bflag:$0x3] =	sbarrier.arrive $0xFFFF  }
0x60: {  	_ =	shalt  }

</sc_bundles>
